<compile_context>
chip_gen: v7x
topology: tpu7x:2x2x1
jax: 0.10.2.dev20260603
libtpu: 0.0.44.dev20260713+nightly
codegen_flags: <defaults>
</compile_context>

<pallas_src>
import functools

import jax
import jax.numpy as jnp
from jax import lax
from jax.experimental import pallas as pl
from jax.experimental.pallas import tpu as pltpu
from jax.experimental.pallas import tpu_sc as plsc

_N_SEG = 30
_INV_INTERVAL = float(_N_SEG)

_NW = 32
_LANES = 16
_ROWS = 32
_COLS = 512


def _build_tables(y_v, tab_a, tab_b):
    ks = lax.iota(jnp.int32, _LANES).astype(jnp.float32)
    for base in (0, 14):
        yl = y_v[pl.ds(base, _LANES)]
        yr = y_v[pl.ds(base + 1, _LANES)]
        a = (yr - yl) * _INV_INTERVAL
        b = yl - a * ((ks + float(base)) * (1.0 / _N_SEG))
        tab_a[pl.ds(base, _LANES)] = a
        tab_b[pl.ds(base, _LANES)] = b


def _compute_chunk(tab_a, tab_b, src, dst):
    @plsc.parallel_loop(0, _ROWS * (_COLS // _LANES), unroll=8)
    def _(i):
        r = i >> 5
        c = (i & 31) << 4
        xv = src[r, pl.ds(c, _LANES)]
        idx = (xv * _INV_INTERVAL).astype(jnp.int32)
        idx = jnp.minimum(jnp.maximum(idx, 0), _N_SEG - 1)
        a = plsc.load_gather(tab_a, [idx])
        b = plsc.load_gather(tab_b, [idx])
        y = jnp.minimum(jnp.maximum(xv * a + b, 0.0), 1.0)
        dst[r, pl.ds(c, _LANES)] = y


def _tone_body(n_chunks, x_hbm, y_hbm, out_hbm, y_v, tab_a, tab_b,
               in0, in1, out0, out1, si0, si1, so0, so1):
    wid = lax.axis_index("s") * 2 + lax.axis_index("c")
    base = wid * n_chunks
    pltpu.sync_copy(y_hbm, y_v)
    _build_tables(y_v, tab_a, tab_b)

    ins, outs, sis, sos = (in0, in1), (out0, out1), (si0, si1), (so0, so1)

    def in_slice(ci):
        return x_hbm.at[(base + ci) >> 4, pl.ds(((base + ci) & 15) * _ROWS, _ROWS), :]

    def out_slice(ci):
        return out_hbm.at[(base + ci) >> 4, pl.ds(((base + ci) & 15) * _ROWS, _ROWS), :]

    pltpu.async_copy(in_slice(0), in0, si0)
    pltpu.async_copy(in_slice(1), in1, si1)

    def pair_body(g, _):
        for b in range(2):
            ci = g * 2 + b
            pltpu.make_async_copy(in_slice(ci), ins[b], sis[b]).wait()

            @pl.when(g > 0)
            def _():
                pltpu.make_async_copy(outs[b], out_slice(ci), sos[b]).wait()

            _compute_chunk(tab_a, tab_b, ins[b], outs[b])
            pltpu.async_copy(outs[b], out_slice(ci), sos[b])

            @pl.when(ci + 2 < n_chunks)
            def _():
                pltpu.async_copy(in_slice(ci + 2), ins[b], sis[b])
        return 0

    lax.fori_loop(0, n_chunks // 2, pair_body, 0)
    pltpu.make_async_copy(out0, out_slice(n_chunks - 2), so0).wait()
    pltpu.make_async_copy(out1, out_slice(n_chunks - 1), so1).wait()


@functools.partial(jax.jit, static_argnames=("planes",))
def _tone_map(x3, y_pos, planes):
    n_chunks = planes * (512 // _ROWS) // _NW
    body = functools.partial(_tone_body, n_chunks)
    return pl.kernel(
        body,
        out_type=jax.ShapeDtypeStruct((planes, 512, 512), jnp.float32),
        mesh=plsc.VectorSubcoreMesh(core_axis_name="c", subcore_axis_name="s"),
        compiler_params=pltpu.CompilerParams(
            needs_layout_passes=False, use_tc_tiling_on_sc=True),
        scratch_types=[
            pltpu.VMEM((31,), jnp.float32),
            pltpu.VMEM((32,), jnp.float32),
            pltpu.VMEM((32,), jnp.float32),
            pltpu.VMEM((_ROWS, _COLS), jnp.float32),
            pltpu.VMEM((_ROWS, _COLS), jnp.float32),
            pltpu.VMEM((_ROWS, _COLS), jnp.float32),
            pltpu.VMEM((_ROWS, _COLS), jnp.float32),
            pltpu.SemaphoreType.DMA,
            pltpu.SemaphoreType.DMA,
            pltpu.SemaphoreType.DMA,
            pltpu.SemaphoreType.DMA,
        ],
    )(x3, y_pos)


def kernel(x, y_pos):
    planes = x.shape[0] * x.shape[1]
    x3 = x.reshape((planes, x.shape[2], x.shape[3]))
    out = _tone_map(x3, y_pos, planes)
    return (out.reshape(x.shape),)

# --- scband reference (transcript-rebuilt; emitter-appended) ---
"""Pipeline reference for scband-pwltone-mapping-65360812311005 (READ-ONLY COPY).

The authoritative reference and input builder live on the scoring server;
editing this copy changes nothing except your own understanding.
"""

import jax, jax.numpy as jnp
import numpy as np

N_BREAKPOINTS = 30
B_LEFT = 0.0
B_RIGHT = 1.0
INTERVAL = (B_RIGHT - B_LEFT) / N_BREAKPOINTS


def setup_inputs(seed: int = 0) -> dict:
    key = jax.random.key(seed)
    kx, = jax.random.split(key, 1)
    x = jax.random.uniform(kx, (16, 3, 512, 512), dtype=jnp.float32)
    # learned parameter: breakpoints initialized as linspace, as in the torch module
    y_pos = jnp.linspace(B_LEFT, B_RIGHT, N_BREAKPOINTS + 1, dtype=jnp.float32)
    return {"x": x, "y_pos": y_pos}


def reference(x, y_pos):
    segment_idx = jnp.floor((x - B_LEFT) / INTERVAL)
    segment_idx = jnp.clip(segment_idx, 0, N_BREAKPOINTS - 1).astype(jnp.int64)
    segment_xl = B_LEFT + segment_idx.astype(x.dtype) * INTERVAL
    segment_yl = y_pos[segment_idx]
    segment_yr = y_pos[segment_idx + 1]
    segment_slope = (segment_yr - segment_yl) / INTERVAL
    out = (x - segment_xl) * segment_slope + segment_yl
    out = jnp.clip(out, 0.0, 1.0)
    return (out,)

if __name__ == "__main__":
    import jax
    _d = setup_inputs()
    print(jax.jit(kernel)(*tuple(_d.values())))

</pallas_src>

<mosaic_0001>
#map = affine_map<(d0, d1) -> (0, 0, 0)>
#map1 = affine_map<(d0, d1) -> (0)>
module attributes {stable_mosaic.version = 14 : i64} {
  func.func @_tone_body(%arg0: i32, %arg1: i32, %arg2: memref<48x512x512xf32, #tpu.memory_space<hbm>>, %arg3: memref<31xf32, #tpu.memory_space<hbm>>, %arg4: memref<48x512x512xf32, #tpu.memory_space<hbm>>, %arg5: memref<31xf32, #tpu.memory_space<vmem>>, %arg6: memref<32xf32, #tpu.memory_space<vmem>>, %arg7: memref<32xf32, #tpu.memory_space<vmem>>, %arg8: memref<32x512xf32, #tpu.memory_space<vmem>>, %arg9: memref<32x512xf32, #tpu.memory_space<vmem>>, %arg10: memref<32x512xf32, #tpu.memory_space<vmem>>, %arg11: memref<32x512xf32, #tpu.memory_space<vmem>>, %arg12: memref<!tpu.dma_semaphore, #tpu.memory_space<semaphore_mem>>, %arg13: memref<!tpu.dma_semaphore, #tpu.memory_space<semaphore_mem>>, %arg14: memref<!tpu.dma_semaphore, #tpu.memory_space<semaphore_mem>>, %arg15: memref<!tpu.dma_semaphore, #tpu.memory_space<semaphore_mem>>) attributes {dimension_semantics = [#tpu.dimension_semantics<core_parallel>, #tpu.dimension_semantics<subcore_parallel>], iteration_bounds = array<i64: 2, 16>, scalar_prefetch = 0 : i64, scratch_operands = 11 : i64, tpu.core_type = #tpu.core_type<sc_vector_subcore>, window_params = [{transform_indices = #map}, {transform_indices = #map1}, {transform_indices = #map}]} {
    %mul3A = arith.constant 2 : i32
    %mul3A_0 = arith.muli %arg1, %mul3A : i32
    %add3A = arith.addi %mul3A_0, %arg0 : i32
    %mul3A_1 = arith.constant 24 : i32
    %mul3A_2 = arith.muli %add3A, %mul3A_1 : i32
    "tpu.region"() ({
      %run_scoped3A = tpu.sem_alloc : memref<!tpu.dma_semaphore, #tpu.memory_space<semaphore_mem>>
      tpu.enqueue_dma source(%arg3 : memref<31xf32, #tpu.memory_space<hbm>>) target(%arg5 : memref<31xf32, #tpu.memory_space<vmem>>) target_semaphore(%run_scoped3A : memref<!tpu.dma_semaphore, #tpu.memory_space<semaphore_mem>>)
      tpu.wait_dma2 semaphore(%run_scoped3A : memref<!tpu.dma_semaphore, #tpu.memory_space<semaphore_mem>>) src(%arg3 : memref<31xf32, #tpu.memory_space<hbm>>) dst(%arg5 : memref<31xf32, #tpu.memory_space<vmem>>)
      tpu.yield
    }) : () -> ()
    %iota3A = tpu.iota {dimensions = array<i32: 0>} : vector<16xi32>
    %convert_element_type3A = arith.sitofp %iota3A : vector<16xi32> to vector<16xf32>
    %get3A = arith.constant 0 : index
    %get3A_3 = tpu.vector_load %arg5[%get3A] {strides = array<i32>} : memref<31xf32, #tpu.memory_space<vmem>>, vector<16xf32>,
    %get3A_4 = arith.constant 1 : index
    %get3A_5 = tpu.vector_load %arg5[%get3A_4] {strides = array<i32>} : memref<31xf32, #tpu.memory_space<vmem>>, vector<16xf32>,
    %sub3A = arith.subf %get3A_5, %get3A_3 : vector<16xf32>
    %mul3A_6 = arith.constant 3.000000e+01 : f32
    %mul3A_7 = vector.broadcast %mul3A_6 : f32 to vector<16xf32>
    %mul3A_8 = arith.mulf %sub3A, %mul3A_7 : vector<16xf32>
    %add3A_9 = arith.constant 0.000000e+00 : f32
    %add3A_10 = vector.broadcast %add3A_9 : f32 to vector<16xf32>
    %add3A_11 = arith.addf %convert_element_type3A, %add3A_10 : vector<16xf32>
    %mul3A_12 = arith.constant 0.0333333351 : f32
    %mul3A_13 = vector.broadcast %mul3A_12 : f32 to vector<16xf32>
    %mul3A_14 = arith.mulf %add3A_11, %mul3A_13 : vector<16xf32>
    %mul3A_15 = arith.mulf %mul3A_8, %mul3A_14 : vector<16xf32>
    %sub3A_16 = arith.subf %get3A_3, %mul3A_15 : vector<16xf32>
    %swap3A = arith.constant 0 : index
    %swap3A_17 = tpu.vector_load %arg6[%swap3A] {strides = array<i32>} : memref<32xf32, #tpu.memory_space<vmem>>, vector<16xf32>,
    tpu.vector_store %arg6[%swap3A], %mul3A_8 {strides = array<i32>} : memref<32xf32, #tpu.memory_space<vmem>>, vector<16xf32>,
    %swap3A_18 = arith.constant 0 : index
    %swap3A_19 = tpu.vector_load %arg7[%swap3A_18] {strides = array<i32>} : memref<32xf32, #tpu.memory_space<vmem>>, vector<16xf32>,
    tpu.vector_store %arg7[%swap3A_18], %sub3A_16 {strides = array<i32>} : memref<32xf32, #tpu.memory_space<vmem>>, vector<16xf32>,
    %get3A_20 = arith.constant 14 : index
    %get3A_21 = tpu.vector_load %arg5[%get3A_20] {strides = array<i32>} : memref<31xf32, #tpu.memory_space<vmem>>, vector<16xf32>,
    %get3A_22 = arith.constant 15 : index
    %get3A_23 = tpu.vector_load %arg5[%get3A_22] {strides = array<i32>} : memref<31xf32, #tpu.memory_space<vmem>>, vector<16xf32>,
    %sub3A_24 = arith.subf %get3A_23, %get3A_21 : vector<16xf32>
    %mul3A_25 = arith.constant 3.000000e+01 : f32
    %mul3A_26 = vector.broadcast %mul3A_25 : f32 to vector<16xf32>
    %mul3A_27 = arith.mulf %sub3A_24, %mul3A_26 : vector<16xf32>
    %add3A_28 = arith.constant 1.400000e+01 : f32
    %add3A_29 = vector.broadcast %add3A_28 : f32 to vector<16xf32>
    %add3A_30 = arith.addf %convert_element_type3A, %add3A_29 : vector<16xf32>
    %mul3A_31 = arith.constant 0.0333333351 : f32
    %mul3A_32 = vector.broadcast %mul3A_31 : f32 to vector<16xf32>
    %mul3A_33 = arith.mulf %add3A_30, %mul3A_32 : vector<16xf32>
    %mul3A_34 = arith.mulf %mul3A_27, %mul3A_33 : vector<16xf32>
    %sub3A_35 = arith.subf %get3A_21, %mul3A_34 : vector<16xf32>
    %swap3A_36 = arith.constant 14 : index
    %swap3A_37 = tpu.vector_load %arg6[%swap3A_36] {strides = array<i32>} : memref<32xf32, #tpu.memory_space<vmem>>, vector<16xf32>,
    tpu.vector_store %arg6[%swap3A_36], %mul3A_27 {strides = array<i32>} : memref<32xf32, #tpu.memory_space<vmem>>, vector<16xf32>,
    %swap3A_38 = arith.constant 14 : index
    %swap3A_39 = tpu.vector_load %arg7[%swap3A_38] {strides = array<i32>} : memref<32xf32, #tpu.memory_space<vmem>>, vector<16xf32>,
    tpu.vector_store %arg7[%swap3A_38], %sub3A_35 {strides = array<i32>} : memref<32xf32, #tpu.memory_space<vmem>>, vector<16xf32>,
    %add3A_40 = arith.constant 0 : i32
    %add3A_41 = arith.addi %mul3A_2, %add3A_40 : i32
    %shift_right_arithmetic3A = arith.constant 4 : i32
    %shift_right_arithmetic3A_42 = arith.shrsi %add3A_41, %shift_right_arithmetic3A : i32
    %add3A_43 = arith.constant 0 : i32
    %add3A_44 = arith.addi %mul3A_2, %add3A_43 : i32
    %and3A = arith.constant 15 : i32
    %and3A_45 = arith.andi %add3A_44, %and3A : i32
    %mul3A_46 = arith.constant 32 : i32
    %mul3A_47 = arith.muli %and3A_45, %mul3A_46 : i32
    %dma_start3A = arith.constant 0 : i32
    %dma_start3A_48 = tpu.memref_slice %arg2[%shift_right_arithmetic3A_42, %mul3A_47, %dma_start3A] : memref<48x512x512xf32, #tpu.memory_space<hbm>> -> memref<1x32x512xf32, #tpu.memory_space<hbm>>
    %dma_start3A_49 = tpu.memref_squeeze %dma_start3A_48 : memref<1x32x512xf32, #tpu.memory_space<hbm>> -> memref<32x512xf32, #tpu.memory_space<hbm>>
    %dma_start3A_50 = arith.constant 0 : i32
    %dma_start3A_51 = tpu.memref_slice %arg2[%shift_right_arithmetic3A_42, %mul3A_47, %dma_start3A_50] : memref<48x512x512xf32, #tpu.memory_space<hbm>> -> memref<1x32x512xf32, #tpu.memory_space<hbm>>
    %dma_start3A_52 = tpu.memref_squeeze %dma_start3A_51 : memref<1x32x512xf32, #tpu.memory_space<hbm>> -> memref<32x512xf32, #tpu.memory_space<hbm>>
    tpu.enqueue_dma source(%dma_start3A_52 : memref<32x512xf32, #tpu.memory_space<hbm>>) target(%arg8 : memref<32x512xf32, #tpu.memory_space<vmem>>) target_semaphore(%arg12 : memref<!tpu.dma_semaphore, #tpu.memory_space<semaphore_mem>>)
    %add3A_53 = arith.constant 1 : i32
    %add3A_54 = arith.addi %mul3A_2, %add3A_53 : i32
    %shift_right_arithmetic3A_55 = arith.constant 4 : i32
    %shift_right_arithmetic3A_56 = arith.shrsi %add3A_54, %shift_right_arithmetic3A_55 : i32
    %add3A_57 = arith.constant 1 : i32
    %add3A_58 = arith.addi %mul3A_2, %add3A_57 : i32
    %and3A_59 = arith.constant 15 : i32
    %and3A_60 = arith.andi %add3A_58, %and3A_59 : i32
    %mul3A_61 = arith.constant 32 : i32
    %mul3A_62 = arith.muli %and3A_60, %mul3A_61 : i32
    %dma_start3A_63 = arith.constant 0 : i32
    %dma_start3A_64 = tpu.memref_slice %arg2[%shift_right_arithmetic3A_56, %mul3A_62, %dma_start3A_63] : memref<48x512x512xf32, #tpu.memory_space<hbm>> -> memref<1x32x512xf32, #tpu.memory_space<hbm>>
    %dma_start3A_65 = tpu.memref_squeeze %dma_start3A_64 : memref<1x32x512xf32, #tpu.memory_space<hbm>> -> memref<32x512xf32, #tpu.memory_space<hbm>>
    %dma_start3A_66 = arith.constant 0 : i32
    %dma_start3A_67 = tpu.memref_slice %arg2[%shift_right_arithmetic3A_56, %mul3A_62, %dma_start3A_66] : memref<48x512x512xf32, #tpu.memory_space<hbm>> -> memref<1x32x512xf32, #tpu.memory_space<hbm>>
    %dma_start3A_68 = tpu.memref_squeeze %dma_start3A_67 : memref<1x32x512xf32, #tpu.memory_space<hbm>> -> memref<32x512xf32, #tpu.memory_space<hbm>>
    tpu.enqueue_dma source(%dma_start3A_68 : memref<32x512xf32, #tpu.memory_space<hbm>>) target(%arg9 : memref<32x512xf32, #tpu.memory_space<vmem>>) target_semaphore(%arg13 : memref<!tpu.dma_semaphore, #tpu.memory_space<semaphore_mem>>)
    %scan3A = arith.constant 0 : i32
    %scan3A_69 = arith.constant 0 : i32
    %scan3A_70 = arith.constant 12 : i32
    %scan3A_71 = arith.addi %scan3A_69, %scan3A_70 : i32
    %scan3A_72 = arith.constant 1 : i32
    %scan3A_73 = scf.for %scan3A_106 = %scan3A_69 to %scan3A_71 step %scan3A_72 iter_args(%scan3A_107 = %scan3A) -> (i32)  : i32 {
      %mul3A_108 = arith.constant 2 : i32
      %mul3A_109 = arith.muli %scan3A_106, %mul3A_108 : i32
      %add3A_110 = arith.constant 0 : i32
      %add3A_111 = arith.addi %mul3A_109, %add3A_110 : i32
      %add3A_112 = arith.addi %mul3A_2, %add3A_111 : i32
      %shift_right_arithmetic3A_113 = arith.constant 4 : i32
      %shift_right_arithmetic3A_114 = arith.shrsi %add3A_112, %shift_right_arithmetic3A_113 : i32
      %add3A_115 = arith.addi %mul3A_2, %add3A_111 : i32
      %and3A_116 = arith.constant 15 : i32
      %and3A_117 = arith.andi %add3A_115, %and3A_116 : i32
      %mul3A_118 = arith.constant 32 : i32
      %mul3A_119 = arith.muli %and3A_117, %mul3A_118 : i32
      %dma_wait3A_120 = arith.constant 0 : i32
      %dma_wait3A_121 = tpu.memref_slice %arg2[%shift_right_arithmetic3A_114, %mul3A_119, %dma_wait3A_120] : memref<48x512x512xf32, #tpu.memory_space<hbm>> -> memref<1x32x512xf32, #tpu.memory_space<hbm>>
      %dma_wait3A_122 = tpu.memref_squeeze %dma_wait3A_121 : memref<1x32x512xf32, #tpu.memory_space<hbm>> -> memref<32x512xf32, #tpu.memory_space<hbm>>
      %dma_wait3A_123 = arith.constant 0 : i32
      %dma_wait3A_124 = tpu.memref_slice %arg2[%shift_right_arithmetic3A_114, %mul3A_119, %dma_wait3A_123] : memref<48x512x512xf32, #tpu.memory_space<hbm>> -> memref<1x32x512xf32, #tpu.memory_space<hbm>>
      %dma_wait3A_125 = tpu.memref_squeeze %dma_wait3A_124 : memref<1x32x512xf32, #tpu.memory_space<hbm>> -> memref<32x512xf32, #tpu.memory_space<hbm>>
      tpu.wait_dma2 semaphore(%arg12 : memref<!tpu.dma_semaphore, #tpu.memory_space<semaphore_mem>>) src(%dma_wait3A_125 : memref<32x512xf32, #tpu.memory_space<hbm>>) dst(%arg8 : memref<32x512xf32, #tpu.memory_space<vmem>>)
      %gt3A = arith.constant 0 : i32
      %gt3A_126 = arith.cmpi sgt, %scan3A_106, %gt3A : i32
      %convert_element_type3A_127 = arith.extui %gt3A_126 : i1 to i32
      %cond3A = arith.constant 0 : i32
      %cond3A_128 = arith.cmpi ne, %convert_element_type3A_127, %cond3A : i32
      scf.if %cond3A_128 {
        %add3A_199 = arith.addi %mul3A_2, %add3A_111 : i32
        %shift_right_arithmetic3A_200 = arith.constant 4 : i32
        %shift_right_arithmetic3A_201 = arith.shrsi %add3A_199, %shift_right_arithmetic3A_200 : i32
        %add3A_202 = arith.addi %mul3A_2, %add3A_111 : i32
        %and3A_203 = arith.constant 15 : i32
        %and3A_204 = arith.andi %add3A_202, %and3A_203 : i32
        %mul3A_205 = arith.constant 32 : i32
        %mul3A_206 = arith.muli %and3A_204, %mul3A_205 : i32
        %dma_wait3A_207 = arith.constant 0 : i32
        %dma_wait3A_208 = tpu.memref_slice %arg4[%shift_right_arithmetic3A_201, %mul3A_206, %dma_wait3A_207] : memref<48x512x512xf32, #tpu.memory_space<hbm>> -> memref<1x32x512xf32, #tpu.memory_space<hbm>>
        %dma_wait3A_209 = tpu.memref_squeeze %dma_wait3A_208 : memref<1x32x512xf32, #tpu.memory_space<hbm>> -> memref<32x512xf32, #tpu.memory_space<hbm>>
        %dma_wait3A_210 = arith.constant 0 : i32
        %dma_wait3A_211 = tpu.memref_slice %arg4[%shift_right_arithmetic3A_201, %mul3A_206, %dma_wait3A_210] : memref<48x512x512xf32, #tpu.memory_space<hbm>> -> memref<1x32x512xf32, #tpu.memory_space<hbm>>
        %dma_wait3A_212 = tpu.memref_squeeze %dma_wait3A_211 : memref<1x32x512xf32, #tpu.memory_space<hbm>> -> memref<32x512xf32, #tpu.memory_space<hbm>>
        tpu.wait_dma2 semaphore(%arg14 : memref<!tpu.dma_semaphore, #tpu.memory_space<semaphore_mem>>) src(%arg10 : memref<32x512xf32, #tpu.memory_space<vmem>>) dst(%dma_wait3A_212 : memref<32x512xf32, #tpu.memory_space<hbm>>)
      } else {
      }
      %parallel_loop3A = arith.constant 0 : i32
      %parallel_loop3A_129 = arith.constant 1024 : i32
      %parallel_loop3A_130 = arith.constant 1 : i32
      scf.for %parallel_loop3A_199 = %parallel_loop3A to %parallel_loop3A_129 step %parallel_loop3A_130  : i32 {
        %parallel_loop3A_200 = arith.constant 5 : i32
        %parallel_loop3A_201 = arith.shrsi %parallel_loop3A_199, %parallel_loop3A_200 : i32
        %parallel_loop3A_202 = arith.constant 31 : i32
        %parallel_loop3A_203 = arith.andi %parallel_loop3A_199, %parallel_loop3A_202 : i32
        %parallel_loop3A_204 = arith.constant 4 : i32
        %parallel_loop3A_205 = arith.shli %parallel_loop3A_203, %parallel_loop3A_204 : i32
        %parallel_loop3A_206 = arith.index_cast %parallel_loop3A_201 : i32 to index
        %parallel_loop3A_207 = arith.index_cast %parallel_loop3A_205 : i32 to index
        %parallel_loop3A_208 = tpu.vector_load %arg8[%parallel_loop3A_206, %parallel_loop3A_207] {strides = array<i32>} : memref<32x512xf32, #tpu.memory_space<vmem>>, vector<16xf32>,
        %parallel_loop3A_209 = arith.constant 3.000000e+01 : f32
        %parallel_loop3A_210 = vector.broadcast %parallel_loop3A_209 : f32 to vector<16xf32>
        %parallel_loop3A_211 = arith.mulf %parallel_loop3A_208, %parallel_loop3A_210 : vector<16xf32>
        %parallel_loop3A_212 = arith.fptosi %parallel_loop3A_211 : vector<16xf32> to vector<16xi32>
        %parallel_loop3A_213 = arith.constant 0 : i32
        %parallel_loop3A_214 = vector.broadcast %parallel_loop3A_213 : i32 to vector<16xi32>
        %parallel_loop3A_215 = arith.maxsi %parallel_loop3A_212, %parallel_loop3A_214 : vector<16xi32>
        %parallel_loop3A_216 = arith.constant 29 : i32
        %parallel_loop3A_217 = vector.broadcast %parallel_loop3A_216 : i32 to vector<16xi32>
        %parallel_loop3A_218 = arith.minsi %parallel_loop3A_215, %parallel_loop3A_217 : vector<16xi32>
        %parallel_loop3A_219 = tpu.vector_load_idx %arg6[%parallel_loop3A_218] : memref<32xf32, #tpu.memory_space<vmem>>[vector<16xi32>], vector<16xf32>,
        %parallel_loop3A_220 = tpu.vector_load_idx %arg7[%parallel_loop3A_218] : memref<32xf32, #tpu.memory_space<vmem>>[vector<16xi32>], vector<16xf32>,
        %parallel_loop3A_221 = arith.mulf %parallel_loop3A_208, %parallel_loop3A_219 : vector<16xf32>
        %parallel_loop3A_222 = arith.addf %parallel_loop3A_221, %parallel_loop3A_220 : vector<16xf32>
        %parallel_loop3A_223 = arith.constant 0.000000e+00 : f32
        %parallel_loop3A_224 = vector.broadcast %parallel_loop3A_223 : f32 to vector<16xf32>
        %parallel_loop3A_225 = arith.maximumf %parallel_loop3A_222, %parallel_loop3A_224 : vector<16xf32>
        %parallel_loop3A_226 = arith.constant 1.000000e+00 : f32
        %parallel_loop3A_227 = vector.broadcast %parallel_loop3A_226 : f32 to vector<16xf32>
        %parallel_loop3A_228 = arith.minimumf %parallel_loop3A_225, %parallel_loop3A_227 : vector<16xf32>
        %parallel_loop3A_229 = arith.index_cast %parallel_loop3A_201 : i32 to index
        %parallel_loop3A_230 = arith.index_cast %parallel_loop3A_205 : i32 to index
        %parallel_loop3A_231 = tpu.vector_load %arg10[%parallel_loop3A_229, %parallel_loop3A_230] {strides = array<i32>} : memref<32x512xf32, #tpu.memory_space<vmem>>, vector<16xf32>,
        tpu.vector_store %arg10[%parallel_loop3A_229, %parallel_loop3A_230], %parallel_loop3A_228 {strides = array<i32>} : memref<32x512xf32, #tpu.memory_space<vmem>>, vector<16xf32>,
      } {sc.loop_unroll_factor = 8 : i64, sc.parallel_access}
      %add3A_131 = arith.addi %mul3A_2, %add3A_111 : i32
      %shift_right_arithmetic3A_132 = arith.constant 4 : i32
      %shift_right_arithmetic3A_133 = arith.shrsi %add3A_131, %shift_right_arithmetic3A_132 : i32
      %add3A_134 = arith.addi %mul3A_2, %add3A_111 : i32
      %and3A_135 = arith.constant 15 : i32
      %and3A_136 = arith.andi %add3A_134, %and3A_135 : i32
      %mul3A_137 = arith.constant 32 : i32
      %mul3A_138 = arith.muli %and3A_136, %mul3A_137 : i32
      %dma_start3A_139 = arith.constant 0 : i32
      %dma_start3A_140 = tpu.memref_slice %arg4[%shift_right_arithmetic3A_133, %mul3A_138, %dma_start3A_139] : memref<48x512x512xf32, #tpu.memory_space<hbm>> -> memref<1x32x512xf32, #tpu.memory_space<hbm>>
      %dma_start3A_141 = tpu.memref_squeeze %dma_start3A_140 : memref<1x32x512xf32, #tpu.memory_space<hbm>> -> memref<32x512xf32, #tpu.memory_space<hbm>>
      %dma_start3A_142 = arith.constant 0 : i32
      %dma_start3A_143 = tpu.memref_slice %arg4[%shift_right_arithmetic3A_133, %mul3A_138, %dma_start3A_142] : memref<48x512x512xf32, #tpu.memory_space<hbm>> -> memref<1x32x512xf32, #tpu.memory_space<hbm>>
      %dma_start3A_144 = tpu.memref_squeeze %dma_start3A_143 : memref<1x32x512xf32, #tpu.memory_space<hbm>> -> memref<32x512xf32, #tpu.memory_space<hbm>>
      tpu.enqueue_dma source(%arg10 : memref<32x512xf32, #tpu.memory_space<vmem>>) target(%dma_start3A_144 : memref<32x512xf32, #tpu.memory_space<hbm>>) target_semaphore(%arg14 : memref<!tpu.dma_semaphore, #tpu.memory_space<semaphore_mem>>)
      %add3A_145 = arith.constant 2 : i32
      %add3A_146 = arith.addi %add3A_111, %add3A_145 : i32
      %lt3A = arith.constant 24 : i32
      %lt3A_147 = arith.cmpi slt, %add3A_146, %lt3A : i32
      %convert_element_type3A_148 = arith.extui %lt3A_147 : i1 to i32
      %cond3A_149 = arith.constant 0 : i32
      %cond3A_150 = arith.cmpi ne, %convert_element_type3A_148, %cond3A_149 : i32
      scf.if %cond3A_150 {
        %add3A_199 = arith.constant 2 : i32
        %add3A_200 = arith.addi %add3A_111, %add3A_199 : i32
        %add3A_201 = arith.addi %mul3A_2, %add3A_200 : i32
        %shift_right_arithmetic3A_202 = arith.constant 4 : i32
        %shift_right_arithmetic3A_203 = arith.shrsi %add3A_201, %shift_right_arithmetic3A_202 : i32
        %add3A_204 = arith.addi %mul3A_2, %add3A_200 : i32
        %and3A_205 = arith.constant 15 : i32
        %and3A_206 = arith.andi %add3A_204, %and3A_205 : i32
        %mul3A_207 = arith.constant 32 : i32
        %mul3A_208 = arith.muli %and3A_206, %mul3A_207 : i32
        %dma_start3A_209 = arith.constant 0 : i32
        %dma_start3A_210 = tpu.memref_slice %arg2[%shift_right_arithmetic3A_203, %mul3A_208, %dma_start3A_209] : memref<48x512x512xf32, #tpu.memory_space<hbm>> -> memref<1x32x512xf32, #tpu.memory_space<hbm>>
        %dma_start3A_211 = tpu.memref_squeeze %dma_start3A_210 : memref<1x32x512xf32, #tpu.memory_space<hbm>> -> memref<32x512xf32, #tpu.memory_space<hbm>>
        %dma_start3A_212 = arith.constant 0 : i32
        %dma_start3A_213 = tpu.memref_slice %arg2[%shift_right_arithmetic3A_203, %mul3A_208, %dma_start3A_212] : memref<48x512x512xf32, #tpu.memory_space<hbm>> -> memref<1x32x512xf32, #tpu.memory_space<hbm>>
        %dma_start3A_214 = tpu.memref_squeeze %dma_start3A_213 : memref<1x32x512xf32, #tpu.memory_space<hbm>> -> memref<32x512xf32, #tpu.memory_space<hbm>>
        tpu.enqueue_dma source(%dma_start3A_214 : memref<32x512xf32, #tpu.memory_space<hbm>>) target(%arg8 : memref<32x512xf32, #tpu.memory_space<vmem>>) target_semaphore(%arg12 : memref<!tpu.dma_semaphore, #tpu.memory_space<semaphore_mem>>)
      } else {
      }
      %mul3A_151 = arith.constant 2 : i32
      %mul3A_152 = arith.muli %scan3A_106, %mul3A_151 : i32
      %add3A_153 = arith.constant 1 : i32
      %add3A_154 = arith.addi %mul3A_152, %add3A_153 : i32
      %add3A_155 = arith.addi %mul3A_2, %add3A_154 : i32
      %shift_right_arithmetic3A_156 = arith.constant 4 : i32
      %shift_right_arithmetic3A_157 = arith.shrsi %add3A_155, %shift_right_arithmetic3A_156 : i32
      %add3A_158 = arith.addi %mul3A_2, %add3A_154 : i32
      %and3A_159 = arith.constant 15 : i32
      %and3A_160 = arith.andi %add3A_158, %and3A_159 : i32
      %mul3A_161 = arith.constant 32 : i32
      %mul3A_162 = arith.muli %and3A_160, %mul3A_161 : i32
      %dma_wait3A_163 = arith.constant 0 : i32
      %dma_wait3A_164 = tpu.memref_slice %arg2[%shift_right_arithmetic3A_157, %mul3A_162, %dma_wait3A_163] : memref<48x512x512xf32, #tpu.memory_space<hbm>> -> memref<1x32x512xf32, #tpu.memory_space<hbm>>
      %dma_wait3A_165 = tpu.memref_squeeze %dma_wait3A_164 : memref<1x32x512xf32, #tpu.memory_space<hbm>> -> memref<32x512xf32, #tpu.memory_space<hbm>>
      %dma_wait3A_166 = arith.constant 0 : i32
      %dma_wait3A_167 = tpu.memref_slice %arg2[%shift_right_arithmetic3A_157, %mul3A_162, %dma_wait3A_166] : memref<48x512x512xf32, #tpu.memory_space<hbm>> -> memref<1x32x512xf32, #tpu.memory_space<hbm>>
      %dma_wait3A_168 = tpu.memref_squeeze %dma_wait3A_167 : memref<1x32x512xf32, #tpu.memory_space<hbm>> -> memref<32x512xf32, #tpu.memory_space<hbm>>
      tpu.wait_dma2 semaphore(%arg13 : memref<!tpu.dma_semaphore, #tpu.memory_space<semaphore_mem>>) src(%dma_wait3A_168 : memref<32x512xf32, #tpu.memory_space<hbm>>) dst(%arg9 : memref<32x512xf32, #tpu.memory_space<vmem>>)
      %gt3A_169 = arith.constant 0 : i32
      %gt3A_170 = arith.cmpi sgt, %scan3A_106, %gt3A_169 : i32
      %convert_element_type3A_171 = arith.extui %gt3A_170 : i1 to i32
      %cond3A_172 = arith.constant 0 : i32
      %cond3A_173 = arith.cmpi ne, %convert_element_type3A_171, %cond3A_172 : i32
      scf.if %cond3A_173 {
        %add3A_199 = arith.addi %mul3A_2, %add3A_154 : i32
        %shift_right_arithmetic3A_200 = arith.constant 4 : i32
        %shift_right_arithmetic3A_201 = arith.shrsi %add3A_199, %shift_right_arithmetic3A_200 : i32
        %add3A_202 = arith.addi %mul3A_2, %add3A_154 : i32
        %and3A_203 = arith.constant 15 : i32
        %and3A_204 = arith.andi %add3A_202, %and3A_203 : i32
        %mul3A_205 = arith.constant 32 : i32
        %mul3A_206 = arith.muli %and3A_204, %mul3A_205 : i32
        %dma_wait3A_207 = arith.constant 0 : i32
        %dma_wait3A_208 = tpu.memref_slice %arg4[%shift_right_arithmetic3A_201, %mul3A_206, %dma_wait3A_207] : memref<48x512x512xf32, #tpu.memory_space<hbm>> -> memref<1x32x512xf32, #tpu.memory_space<hbm>>
        %dma_wait3A_209 = tpu.memref_squeeze %dma_wait3A_208 : memref<1x32x512xf32, #tpu.memory_space<hbm>> -> memref<32x512xf32, #tpu.memory_space<hbm>>
        %dma_wait3A_210 = arith.constant 0 : i32
        %dma_wait3A_211 = tpu.memref_slice %arg4[%shift_right_arithmetic3A_201, %mul3A_206, %dma_wait3A_210] : memref<48x512x512xf32, #tpu.memory_space<hbm>> -> memref<1x32x512xf32, #tpu.memory_space<hbm>>
        %dma_wait3A_212 = tpu.memref_squeeze %dma_wait3A_211 : memref<1x32x512xf32, #tpu.memory_space<hbm>> -> memref<32x512xf32, #tpu.memory_space<hbm>>
        tpu.wait_dma2 semaphore(%arg15 : memref<!tpu.dma_semaphore, #tpu.memory_space<semaphore_mem>>) src(%arg11 : memref<32x512xf32, #tpu.memory_space<vmem>>) dst(%dma_wait3A_212 : memref<32x512xf32, #tpu.memory_space<hbm>>)
      } else {
      }
      %parallel_loop3A_174 = arith.constant 0 : i32
      %parallel_loop3A_175 = arith.constant 1024 : i32
      %parallel_loop3A_176 = arith.constant 1 : i32
      scf.for %parallel_loop3A_199 = %parallel_loop3A_174 to %parallel_loop3A_175 step %parallel_loop3A_176  : i32 {
        %parallel_loop3A_200 = arith.constant 5 : i32
        %parallel_loop3A_201 = arith.shrsi %parallel_loop3A_199, %parallel_loop3A_200 : i32
        %parallel_loop3A_202 = arith.constant 31 : i32
        %parallel_loop3A_203 = arith.andi %parallel_loop3A_199, %parallel_loop3A_202 : i32
        %parallel_loop3A_204 = arith.constant 4 : i32
        %parallel_loop3A_205 = arith.shli %parallel_loop3A_203, %parallel_loop3A_204 : i32
        %parallel_loop3A_206 = arith.index_cast %parallel_loop3A_201 : i32 to index
        %parallel_loop3A_207 = arith.index_cast %parallel_loop3A_205 : i32 to index
        %parallel_loop3A_208 = tpu.vector_load %arg9[%parallel_loop3A_206, %parallel_loop3A_207] {strides = array<i32>} : memref<32x512xf32, #tpu.memory_space<vmem>>, vector<16xf32>,
        %parallel_loop3A_209 = arith.constant 3.000000e+01 : f32
        %parallel_loop3A_210 = vector.broadcast %parallel_loop3A_209 : f32 to vector<16xf32>
        %parallel_loop3A_211 = arith.mulf %parallel_loop3A_208, %parallel_loop3A_210 : vector<16xf32>
        %parallel_loop3A_212 = arith.fptosi %parallel_loop3A_211 : vector<16xf32> to vector<16xi32>
        %parallel_loop3A_213 = arith.constant 0 : i32
        %parallel_loop3A_214 = vector.broadcast %parallel_loop3A_213 : i32 to vector<16xi32>
        %parallel_loop3A_215 = arith.maxsi %parallel_loop3A_212, %parallel_loop3A_214 : vector<16xi32>
        %parallel_loop3A_216 = arith.constant 29 : i32
        %parallel_loop3A_217 = vector.broadcast %parallel_loop3A_216 : i32 to vector<16xi32>
        %parallel_loop3A_218 = arith.minsi %parallel_loop3A_215, %parallel_loop3A_217 : vector<16xi32>
        %parallel_loop3A_219 = tpu.vector_load_idx %arg6[%parallel_loop3A_218] : memref<32xf32, #tpu.memory_space<vmem>>[vector<16xi32>], vector<16xf32>,
        %parallel_loop3A_220 = tpu.vector_load_idx %arg7[%parallel_loop3A_218] : memref<32xf32, #tpu.memory_space<vmem>>[vector<16xi32>], vector<16xf32>,
        %parallel_loop3A_221 = arith.mulf %parallel_loop3A_208, %parallel_loop3A_219 : vector<16xf32>
        %parallel_loop3A_222 = arith.addf %parallel_loop3A_221, %parallel_loop3A_220 : vector<16xf32>
        %parallel_loop3A_223 = arith.constant 0.000000e+00 : f32
        %parallel_loop3A_224 = vector.broadcast %parallel_loop3A_223 : f32 to vector<16xf32>
        %parallel_loop3A_225 = arith.maximumf %parallel_loop3A_222, %parallel_loop3A_224 : vector<16xf32>
        %parallel_loop3A_226 = arith.constant 1.000000e+00 : f32
        %parallel_loop3A_227 = vector.broadcast %parallel_loop3A_226 : f32 to vector<16xf32>
        %parallel_loop3A_228 = arith.minimumf %parallel_loop3A_225, %parallel_loop3A_227 : vector<16xf32>
        %parallel_loop3A_229 = arith.index_cast %parallel_loop3A_201 : i32 to index
        %parallel_loop3A_230 = arith.index_cast %parallel_loop3A_205 : i32 to index
        %parallel_loop3A_231 = tpu.vector_load %arg11[%parallel_loop3A_229, %parallel_loop3A_230] {strides = array<i32>} : memref<32x512xf32, #tpu.memory_space<vmem>>, vector<16xf32>,
        tpu.vector_store %arg11[%parallel_loop3A_229, %parallel_loop3A_230], %parallel_loop3A_228 {strides = array<i32>} : memref<32x512xf32, #tpu.memory_space<vmem>>, vector<16xf32>,
      } {sc.loop_unroll_factor = 8 : i64, sc.parallel_access}
      %add3A_177 = arith.addi %mul3A_2, %add3A_154 : i32
      %shift_right_arithmetic3A_178 = arith.constant 4 : i32
      %shift_right_arithmetic3A_179 = arith.shrsi %add3A_177, %shift_right_arithmetic3A_178 : i32
      %add3A_180 = arith.addi %mul3A_2, %add3A_154 : i32
      %and3A_181 = arith.constant 15 : i32
      %and3A_182 = arith.andi %add3A_180, %and3A_181 : i32
      %mul3A_183 = arith.constant 32 : i32
      %mul3A_184 = arith.muli %and3A_182, %mul3A_183 : i32
      %dma_start3A_185 = arith.constant 0 : i32
      %dma_start3A_186 = tpu.memref_slice %arg4[%shift_right_arithmetic3A_179, %mul3A_184, %dma_start3A_185] : memref<48x512x512xf32, #tpu.memory_space<hbm>> -> memref<1x32x512xf32, #tpu.memory_space<hbm>>
      %dma_start3A_187 = tpu.memref_squeeze %dma_start3A_186 : memref<1x32x512xf32, #tpu.memory_space<hbm>> -> memref<32x512xf32, #tpu.memory_space<hbm>>
      %dma_start3A_188 = arith.constant 0 : i32
      %dma_start3A_189 = tpu.memref_slice %arg4[%shift_right_arithmetic3A_179, %mul3A_184, %dma_start3A_188] : memref<48x512x512xf32, #tpu.memory_space<hbm>> -> memref<1x32x512xf32, #tpu.memory_space<hbm>>
      %dma_start3A_190 = tpu.memref_squeeze %dma_start3A_189 : memref<1x32x512xf32, #tpu.memory_space<hbm>> -> memref<32x512xf32, #tpu.memory_space<hbm>>
      tpu.enqueue_dma source(%arg11 : memref<32x512xf32, #tpu.memory_space<vmem>>) target(%dma_start3A_190 : memref<32x512xf32, #tpu.memory_space<hbm>>) target_semaphore(%arg15 : memref<!tpu.dma_semaphore, #tpu.memory_space<semaphore_mem>>)
      %add3A_191 = arith.constant 2 : i32
      %add3A_192 = arith.addi %add3A_154, %add3A_191 : i32
      %lt3A_193 = arith.constant 24 : i32
      %lt3A_194 = arith.cmpi slt, %add3A_192, %lt3A_193 : i32
      %convert_element_type3A_195 = arith.extui %lt3A_194 : i1 to i32
      %cond3A_196 = arith.constant 0 : i32
      %cond3A_197 = arith.cmpi ne, %convert_element_type3A_195, %cond3A_196 : i32
      scf.if %cond3A_197 {
        %add3A_199 = arith.constant 2 : i32
        %add3A_200 = arith.addi %add3A_154, %add3A_199 : i32
        %add3A_201 = arith.addi %mul3A_2, %add3A_200 : i32
        %shift_right_arithmetic3A_202 = arith.constant 4 : i32
        %shift_right_arithmetic3A_203 = arith.shrsi %add3A_201, %shift_right_arithmetic3A_202 : i32
        %add3A_204 = arith.addi %mul3A_2, %add3A_200 : i32
        %and3A_205 = arith.constant 15 : i32
        %and3A_206 = arith.andi %add3A_204, %and3A_205 : i32
        %mul3A_207 = arith.constant 32 : i32
        %mul3A_208 = arith.muli %and3A_206, %mul3A_207 : i32
        %dma_start3A_209 = arith.constant 0 : i32
        %dma_start3A_210 = tpu.memref_slice %arg2[%shift_right_arithmetic3A_203, %mul3A_208, %dma_start3A_209] : memref<48x512x512xf32, #tpu.memory_space<hbm>> -> memref<1x32x512xf32, #tpu.memory_space<hbm>>
        %dma_start3A_211 = tpu.memref_squeeze %dma_start3A_210 : memref<1x32x512xf32, #tpu.memory_space<hbm>> -> memref<32x512xf32, #tpu.memory_space<hbm>>
        %dma_start3A_212 = arith.constant 0 : i32
        %dma_start3A_213 = tpu.memref_slice %arg2[%shift_right_arithmetic3A_203, %mul3A_208, %dma_start3A_212] : memref<48x512x512xf32, #tpu.memory_space<hbm>> -> memref<1x32x512xf32, #tpu.memory_space<hbm>>
        %dma_start3A_214 = tpu.memref_squeeze %dma_start3A_213 : memref<1x32x512xf32, #tpu.memory_space<hbm>> -> memref<32x512xf32, #tpu.memory_space<hbm>>
        tpu.enqueue_dma source(%dma_start3A_214 : memref<32x512xf32, #tpu.memory_space<hbm>>) target(%arg9 : memref<32x512xf32, #tpu.memory_space<vmem>>) target_semaphore(%arg13 : memref<!tpu.dma_semaphore, #tpu.memory_space<semaphore_mem>>)
      } else {
      }
      %scan3A_198 = arith.constant 0 : i32
      scf.yield %scan3A_198 : i32
    }
    %scan3A_74 = arith.constant 12 : i32
    %add3A_75 = arith.constant 22 : i32
    %add3A_76 = arith.addi %mul3A_2, %add3A_75 : i32
    %shift_right_arithmetic3A_77 = arith.constant 4 : i32
    %shift_right_arithmetic3A_78 = arith.shrsi %add3A_76, %shift_right_arithmetic3A_77 : i32
    %add3A_79 = arith.constant 22 : i32
    %add3A_80 = arith.addi %mul3A_2, %add3A_79 : i32
    %and3A_81 = arith.constant 15 : i32
    %and3A_82 = arith.andi %add3A_80, %and3A_81 : i32
    %mul3A_83 = arith.constant 32 : i32
    %mul3A_84 = arith.muli %and3A_82, %mul3A_83 : i32
    %dma_wait3A = arith.constant 0 : i32
    %dma_wait3A_85 = tpu.memref_slice %arg4[%shift_right_arithmetic3A_78, %mul3A_84, %dma_wait3A] : memref<48x512x512xf32, #tpu.memory_space<hbm>> -> memref<1x32x512xf32, #tpu.memory_space<hbm>>
    %dma_wait3A_86 = tpu.memref_squeeze %dma_wait3A_85 : memref<1x32x512xf32, #tpu.memory_space<hbm>> -> memref<32x512xf32, #tpu.memory_space<hbm>>
    %dma_wait3A_87 = arith.constant 0 : i32
    %dma_wait3A_88 = tpu.memref_slice %arg4[%shift_right_arithmetic3A_78, %mul3A_84, %dma_wait3A_87] : memref<48x512x512xf32, #tpu.memory_space<hbm>> -> memref<1x32x512xf32, #tpu.memory_space<hbm>>
    %dma_wait3A_89 = tpu.memref_squeeze %dma_wait3A_88 : memref<1x32x512xf32, #tpu.memory_space<hbm>> -> memref<32x512xf32, #tpu.memory_space<hbm>>
    tpu.wait_dma2 semaphore(%arg14 : memref<!tpu.dma_semaphore, #tpu.memory_space<semaphore_mem>>) src(%arg10 : memref<32x512xf32, #tpu.memory_space<vmem>>) dst(%dma_wait3A_89 : memref<32x512xf32, #tpu.memory_space<hbm>>)
    %add3A_90 = arith.constant 23 : i32
    %add3A_91 = arith.addi %mul3A_2, %add3A_90 : i32
    %shift_right_arithmetic3A_92 = arith.constant 4 : i32
    %shift_right_arithmetic3A_93 = arith.shrsi %add3A_91, %shift_right_arithmetic3A_92 : i32
    %add3A_94 = arith.constant 23 : i32
    %add3A_95 = arith.addi %mul3A_2, %add3A_94 : i32
    %and3A_96 = arith.constant 15 : i32
    %and3A_97 = arith.andi %add3A_95, %and3A_96 : i32
    %mul3A_98 = arith.constant 32 : i32
    %mul3A_99 = arith.muli %and3A_97, %mul3A_98 : i32
    %dma_wait3A_100 = arith.constant 0 : i32
    %dma_wait3A_101 = tpu.memref_slice %arg4[%shift_right_arithmetic3A_93, %mul3A_99, %dma_wait3A_100] : memref<48x512x512xf32, #tpu.memory_space<hbm>> -> memref<1x32x512xf32, #tpu.memory_space<hbm>>
    %dma_wait3A_102 = tpu.memref_squeeze %dma_wait3A_101 : memref<1x32x512xf32, #tpu.memory_space<hbm>> -> memref<32x512xf32, #tpu.memory_space<hbm>>
    %dma_wait3A_103 = arith.constant 0 : i32
    %dma_wait3A_104 = tpu.memref_slice %arg4[%shift_right_arithmetic3A_93, %mul3A_99, %dma_wait3A_103] : memref<48x512x512xf32, #tpu.memory_space<hbm>> -> memref<1x32x512xf32, #tpu.memory_space<hbm>>
    %dma_wait3A_105 = tpu.memref_squeeze %dma_wait3A_104 : memref<1x32x512xf32, #tpu.memory_space<hbm>> -> memref<32x512xf32, #tpu.memory_space<hbm>>
    tpu.wait_dma2 semaphore(%arg15 : memref<!tpu.dma_semaphore, #tpu.memory_space<semaphore_mem>>) src(%arg11 : memref<32x512xf32, #tpu.memory_space<vmem>>) dst(%dma_wait3A_105 : memref<32x512xf32, #tpu.memory_space<hbm>>)
    return
  }
}

</mosaic_0001>

<sc_bundles>
// kernel: _tone_map.3.cloned.1.call-start
scs
__scs_entry_jumppad:
0x0: {  	(pc) =	sbr.rel $0x88, $3  }
0x1: {  	(tag) =	ssettag $0x0;
	lr =	simm.s32 $0x1  }
0x2: {  	[smem:$0x3F9F] =	sst lr;
	_ =	strace $0xD0000000  }
0x3: {  	_ = 	snop  }
0x4: {  	_ = 	snop  }
0x5: {  	_ = 	snop  }
0x6: {  	_ = 	snop  }
0x7: {  	_ = 	snop  }
__scs_overlays_trampoline_lowered:
0x8: {  	[smem:$0x3FAE] =	sst s0  }
0x9: {  	[smem:$0x3FAF] =	sst s1  }
0xa: {  	[smem:$0x3FB0] =	sst s2  }
0xb: {  	[smem:$0x3FB1] =	sst s3  }
0xc: {  	[smem:$0x3FB2] =	sst s4  }
0xd: {  	[smem:$0x3FB3] =	sst s5  }
0xe: {  	[smem:$0x3FB4] =	sst s6  }
0xf: {  	[smem:$0x3FB5] =	sst s7  }
0x10: {  	[smem:$0x3FB6] =	sst s8  }
0x11: {  	[smem:$0x3FB7] =	sst s9;
	s0 =	simm.s32 @!p0 $0x0  }
0x12: {  	s1 =	sld [smem:$0x3F9D];
	s0 =	simm.s32 @p0 $0x1  }
0x13: {  	[smem:$0x3FB8] =	sst s0;
	s0 =	simm.s32 @!p1 $0x0  }
0x14: {  	s2 =	sld [smem:$0x3F9C];
	s0 =	simm.s32 @p1 $0x1  }
0x15: {  	[smem:$0x3FB9] =	sst s0;
	s0 =	simm.s32 @!p2 $0x0  }
0x16: {  	s3 =	sld [smem:$0x3FDB];
	s0 =	simm.s32 @p2 $0x1  }
0x17: {  	s4 =	simm.s32 $0x1BF5;
	[smem:$0x3FBB] =	sst s0  }
0x18: {  	s0 =	sld [smem:$0x3F9E];
	_ =	swait.ge [sflag:s4], $0x0  }
0x19: {  	s7 =	sld [smem:$0x3F9F]  }
0x1a: {  	s8 =	sadd.s32 $0xFFFFE003, lr  }
0x1b: {  	s9 =	sadd.s32 $0xFFFFFEF7, lr;
	s5 =	simm.s32 $0xFFFFFFFF;
	p2 =	slt.u32 s8, $0xFFFFF086  }
0x1c: {  	p1 =	slt.u32 s9, $0xF7A;
	s5 =	simm.s32 @!p2 $0x0  }
0x1d: {  	s5 =	simm.s32 @p1 $0x1;
	p0 =	seq.s32 s7, s2  }
0x1e: {  	s7 =	smul.u32 @!p0 $0xF7A, s2;
	p2 =	seq.s32 @!p0 s5, $0x0  }
0x1f: {  	s9 =	smul.u32 $0xF7A, s1;
	s8 =	simm.s32 @!p0 $0x1BF5;
	p2 =	por !p2, p0  }
0x20: {  	[sflag:s8] =	ssyncset.s32 @!p0 $0xFFFFF086;
	s6 =	sadd.s32 @!p0 s3, s7;
	s7 =	simm.s32 @!p0 $0x108  }
0x21: {  	s3 =	sadd.s32 s3, s9;
	s6 =	sadd.s32 @!p0 $0x88, s6;
	s7 =	simm.s32 @p2 $0x1082  }
0x22: {  	[simem:s7], [sflag:s8] =	dma.local @!p0 [hbm:s6], $0xF7A  }
0x23: {  	s9 =	sor.u32 $0xD0000000, s2;
	s6 =	simm.s32 $0x108;
	_ =	swait.ge @!p0 [sflag:s8], $0x0  }
0x24: {  	s3 =	sadd.s32 $0x88, s3;
	s6 =	simm.s32 @!p1 $0x1082;
	[sflag:s4] =	ssyncset.s32 $0xFFFFF086  }
0x25: {  	[simem:s6], [sflag:s4] =	dma.local [hbm:s3], $0xF7A  }
0x26: {  	[smem:$0x3F9F] =	sst s1;
	(tag) =	ssettag s2;
	_ =	strace s9  }
0x27: {  	s1 =	sld [smem:$0x3FAF]  }
0x28: {  	s2 =	sld [smem:$0x3FB0]  }
0x29: {  	s4 =	sld [smem:$0x3FB2]  }
0x2a: {  	p0 =	seq.s32 s5, $0x0;
	s5 =	sld [smem:$0x3FB3]  }
0x2b: {  	s6 =	sld [smem:$0x3FB4]  }
0x2c: {  	s7 =	sld [smem:$0x3FB5]  }
0x2d: {  	s3 =	simm.s32 $0x108;
	s8 =	sld [smem:$0x3FB6]  }
0x2e: {  	s3 =	simm.s32 @!p0 $0x1082;
	s9 =	sld [smem:$0x3FB7]  }
0x2f: {  	lr =	sadd.s32 s0, s3;
	s0 =	sld [smem:$0x3FAE]  }
0x30: {  	s3 =	sld [smem:$0x3FB1]  }
0x31: {  	[smem:$0x3FBA] =	sst s10  }
0x32: {  	s10 =	sld [smem:$0x3FB8];
	_ =	sdelay $0x3  }
0x33: {  	p0 =	seq.s32 s10, $0x1;
	s10 =	sld [smem:$0x3FBA];
	_ =	sdelay $0x3  }
0x34: {  	[smem:$0x3FBA] =	sst s10  }
0x35: {  	s10 =	sld [smem:$0x3FB9];
	_ =	sdelay $0x3  }
0x36: {  	p1 =	seq.s32 s10, $0x1;
	s10 =	sld [smem:$0x3FBA];
	_ =	sdelay $0x3  }
0x37: {  	[smem:$0x3FBA] =	sst s10  }
0x38: {  	s10 =	sld [smem:$0x3FBB]  }
0x39: {  	_ = 	snop;
	(pc) =	sbr.ind lr, $3  }
0x3a: {  	_ = 	snop  }
0x3b: {  	_ = 	snop  }
0x3c: {  	p2 =	seq.s32 s10, $0x1;
	s10 =	sld [smem:$0x3FBA]  }
0x3d: {  	_ =	shalt  }
0x3e: {  	_ =	shalt  }
0x3f: {  	_ =	shalt  }
0x40: {  	_ =	shalt  }
0x41: {  	_ =	shalt  }
0x42: {  	_ =	shalt  }
0x43: {  	_ =	shalt  }
0x44: {  	_ =	shalt  }
0x45: {  	_ =	shalt  }
0x46: {  	_ =	shalt  }
0x47: {  	_ =	shalt  }
0x48: {  	_ =	shalt  }
0x49: {  	_ =	shalt  }
0x4a: {  	_ =	shalt  }
0x4b: {  	_ =	shalt  }
0x4c: {  	_ =	shalt  }
0x4d: {  	_ =	shalt  }
0x4e: {  	_ =	shalt  }
0x4f: {  	_ =	shalt  }
0x50: {  	_ =	shalt  }
0x51: {  	_ =	shalt  }
0x52: {  	_ =	shalt  }
0x53: {  	_ =	shalt  }
0x54: {  	_ =	shalt  }
0x55: {  	_ =	shalt  }
0x56: {  	_ =	shalt  }
0x57: {  	_ =	shalt  }
0x58: {  	_ =	shalt  }
0x59: {  	_ =	shalt  }
0x5a: {  	_ =	shalt  }
0x5b: {  	_ =	shalt  }
0x5c: {  	_ =	shalt  }
0x5d: {  	_ =	shalt  }
0x5e: {  	_ =	shalt  }
0x5f: {  	_ =	shalt  }
0x60: {  	_ =	shalt  }
0x61: {  	_ =	shalt  }
0x62: {  	_ =	shalt  }
0x63: {  	_ =	shalt  }
0x64: {  	_ =	shalt  }
0x65: {  	_ =	shalt  }
0x66: {  	_ =	shalt  }
0x67: {  	_ =	shalt  }
0x68: {  	_ =	shalt  }
0x69: {  	_ =	shalt  }
0x6a: {  	_ =	shalt  }
0x6b: {  	_ =	shalt  }
0x6c: {  	_ =	shalt  }
0x6d: {  	_ =	shalt  }
0x6e: {  	_ =	shalt  }
0x6f: {  	_ =	shalt  }
0x70: {  	_ =	shalt  }
0x71: {  	_ =	shalt  }
0x72: {  	_ =	shalt  }
0x73: {  	_ =	shalt  }
0x74: {  	_ =	shalt  }
0x75: {  	_ =	shalt  }
0x76: {  	_ =	shalt  }
0x77: {  	_ =	shalt  }
0x78: {  	_ =	shalt  }
0x79: {  	_ =	shalt  }
0x7a: {  	_ =	shalt  }
0x7b: {  	_ =	shalt  }
0x7c: {  	_ =	shalt  }
0x7d: {  	_ =	shalt  }
0x7e: {  	_ =	shalt  }
0x7f: {  	_ =	shalt  }
0x80: {  	_ =	shalt  }
0x81: {  	_ =	shalt  }
0x82: {  	_ =	shalt  }
0x83: {  	_ =	shalt  }
0x84: {  	_ =	shalt  }
0x85: {  	_ =	shalt  }
0x86: {  	_ =	shalt  }
0x87: {  	_ =	shalt  }
.Lfunc_end0:
.L_simem_size_0:
called_computation_lowered:
.L_overlay_start_0:
0x88: {  	s2 =	sld [smem:$0x3FD9]  }
0x89: {  	s3 =	sld [smem:$0x3FFE];
	_ =	sdelay $0x1  }
0x8a: {  	s1 =	srdreg.scid  }
0x8b: {  	s0 =	sand.u32 $0x1, s1  }
0x8c: {  	s18 =	sshll.u32 s0, $0xA;
	s2 =	sadd.s32 s3, s2  }
0x8d: {  	s2 =	sadd.s32 s2, s18  }
0x8e: {  	[smem:$0x3FC6] =	sst s2  }
0x8f: {  	_ = 	snop  }
0x90: {  	s2 =	sld [smem:$0x3FC9]  }
0x91: {  	s19 =	sld [smem:$0x3FC8]  }
0x92: {  	s4 =	sld [smem:$0x3FD0];
	(tm) =	ssettm $0x1  }
0x93: {  	s5 =	sld [smem:$0x3FFB];
	_ =	sdelay $0x3  }
0x94: {  	_ =	strace s5  }
0x95: {  	s5 =	sld [smem:$0x3FFC];
	_ =	sdelay $0x3  }
0x96: {  	_ =	strace s5  }
0x97: {  	s5 =	sld [smem:$0x3FFD];
	_ =	sdelay $0x3  }
0x98: {  	_ =	strace s5  }
0x99: {  	_ =	strace $0x8FFFFFFF  }
0x9a: {  	s20 =	sld [smem:$0x3FDB];
	_ =	sdelay $0x1  }
0x9b: {  	s6 =	simm.s32 $_scs_section_size  }
0x9c: {  	s7 =	simm.s32 $_size__tile_overlayer_lowered;
	s8 =	simm.s32 $_tile_overlayer_lowered  }
0x9d: {  	s23 =	simm.s32 $0x1BFF;
	s22 =	sshll.u32 s8, $0x1;
	s5 =	sadd.s32 s6, s20  }
0x9e: {  	s9 =	simm.s32 $0x0;
	s21 =	sshll.u32 s7, $0x1;
	s7 =	sadd.s32 s22, s5  }
0x9f: {  	[timem:s9], [sflag:s23] =	dma.local [hbm:s7], s21  }
0xa0: {  	_ =	swait.ge [sflag:s23], s21  }
0xa1: {  	s6 =	ssub.s32 $0x0, s21;
	[sflag:s23] =	ssyncset.done $0x0  }
0xa2: {  	[sflag:s23] =	ssyncadd.s32 s6;
	_ =	sdelay $0x1  }
0xa3: {  	s24 =	simm.s32 $0x1B8B  }
0xa4: {  	_ =	swait.ge [sflag:s24], $0x1  }
0xa5: {  	[sflag:s24] =	ssyncset.done $0x0  }
0xa6: {  	s25 =	simm.s32 $0x1B8E;
	[sflag:s24] =	ssyncadd.s32 $0xFFFFFFFF  }
0xa7: {  	s26 =	simm.s32 $execute0_lowered;
	[smem:$0x3FD2] =	sst s25  }
0xa8: {  	s6 =	sshll.u32 s26, $0x1;
	_ =	strace $0x80000046;
	[dreg:$0x1] =	wrdreg $0xFFFFFFFF  }
0xa9: {  	s28 =	simm.s32 $_size_execute0_lowered;
	s5 =	sadd.s32 s5, s6;
	[dreg:$0x0] =	wrdreg $0x0  }
0xaa: {  	s6 =	sshll.u32 s28, $0x1;
	[dreg:$0x2] =	wrdreg s5  }
0xab: {  	[dreg:$0x3] =	wrdreg s6  }
0xac: {  	[dreg:$0x4] =	wrdreg $0xC0  }
0xad: {  	_ =	task [dreg:s9], $0x5FFFF  }
0xae: {  	[dreg:$0x1] =	wrdreg $0xFFFFFFFF  }
0xaf: {  	[dreg:$0x0] =	wrdreg $0x60  }
0xb0: {  	[dreg:$0x2] =	wrdreg s2  }
0xb1: {  	[dreg:$0x3] =	wrdreg s19  }
0xb2: {  	[dreg:$0x4] =	wrdreg s4  }
0xb3: {  	[dreg:$0x5] =	wrdreg $0x9  }
0xb4: {  	_ =	task.clear_ibuf [dreg:s9], $0x6FFFF;
	_ =	strace $0x90000046  }
0xb5: {  	s29 =	simm.s32 $0x9;
	_ =	strace $0x80000048  }
0xb6: {  	_ =	swait.ge [sflag:s29], $0x1  }
0xb7: {  	[sflag:s29] =	ssyncadd.s32 $0xFFFFFFFF  }
0xb8: {  	_ =	strace $0x90000048  }
0xb9: {  	_ =	sfence  }
0xba: {  	s30 =	sld [smem:$0x0];
	_ =	sdelay $0x2  }
0xbb: {  	s31 =	sshll.u32 s1, $0xD;
	s1 =	sshrl.u32 s1, $0x2  }
0xbc: {  	s3 =	sand.u32 $0x4000, s31;
	s1 =	sadd.s32 s1, s30  }
0xbd: {  	s0 =	sor.u32 s3, s0;
	s1 =	sshll.u32 s1, $0x11  }
0xbe: {  	s0 =	sor.u32 s1, s0  }
0xbf: {  	s0 =	sadd.s32 $0x8F2B, s0  }
0xc0: {  	[sflag:s0] =	ssyncadd.remote.s32 $0x1  }
0xc1: {  	_ =	sfence.sel $0xFFFF  }
0xc2: {  	[dreg:$0x0] =	wrdreg $0xFFFFFFFF;
	(pc) =	sbr.abs _section_cstart, $3  }
0xc3: {  	[dreg:$0x1] =	wrdreg $0xFFFFFFFF  }
0xc4: {  	_ =	task.clear_ibuf [dreg:s9], $0x2FFFF;
	_ =	strace $0x9FFFFFFF  }
0xc5: {  	(tm) =	ssettm $0x7FFFFFFF  }
tec
execute0_lowered:
.L_overlay_start_1:
0x0: {  	(tag) =	ssettag $0x1  }
0x1: {  	vm0 =	vcmask $0x300;
	v0 =	vimm.f32 $-5.000000000e-01;
	vm1 =	vcmask $0x704  }
0x2: {  	vm2 =	vcmask $0xB08;
	v1 =	vimm.f32 $-9.666666980e-01;
	vm3 =	vcmask $0xF0C  }
0x3: {  	vm15 =	vcmask $0x1310;
	v0 =	vsel vm0, $0x80000000, v0;
	v1 =	vsel vm0, $0xBEEEEEF0, v1  }
0x4: {  	vm6 =	vcmask $0x1714;
	v0 =	vsel vm1, $0xBD088889, v0;
	v1 =	vsel vm1, $0xBF000000, v1  }
0x5: {  	s1 =	rddreg [dreg:$0x0];
	vm7 =	vcmask $0x1B18;
	v0 =	vsel vm2, $0xBD888889, v0;
	v1 =	vsel vm2, $0xBF088889, v1  }
0x6: {  	s3 =	rddreg [dreg:$0x2];
	s5 =	simm.s32 $0x0;
	s0 =	srdreg.scid;
	vm8 =	vcmask $0x1F1C;
	v0 =	vsel vm3, $0xBDCCCCCE, v0;
	v1 =	vsel vm3, $0xBF111112, v1  }
0x7: {  	s2 =	stileid.u32;
	vm9 =	vcmask $0x2320;
	s13 =	simm.s32 $0x5;
	s15 =	simm.s32 $0x4180;
	v0 =	vsel vm15, $0xBE088889, v0;
	v1 =	vsel vm15, $0xBF19999A, v1  }
0x8: {  	vm10 =	vcmask $0x2724;
	s16 =	simm.s32 $0x1;
	s17 =	simm.s32 $0x80;
	s18 =	simm.s32 $0x100;
	v0 =	vsel vm6, $0xBE2AAAAB, v0;
	v1 =	vsel vm6, $0xBF222223, v1  }
0x9: {  	vm11 =	vcmask $0x2B28;
	s19 =	simm.s32 $0x8180;
	s0 =	sand.u32 $0x1, s0;
	s4 =	sshll.u32 s2, $0x1;
	v0 =	vsel vm7, $0xBE4CCCCE, v0;
	v1 =	vsel vm7, $0xBF2AAAAB, v1  }
0xa: {  	vm12 =	vcmask $0x2F2C;
	s20 =	simm.s32 $0x2;
	s21 =	simm.s32 $0xC180;
	s4 =	sor.u32 s0, s4;
	v0 =	vsel vm8, $0xBE6EEEF0, v0;
	v1 =	vsel vm8, $0xBF333334, v1  }
0xb: {  	vm13 =	vcmask $0x3330;
	s22 =	simm.s32 $0x3;
	s23 =	simm.s32 $0x4;
	s6 =	smul.u32 $0x60000, s4;
	v0 =	vsel vm9, $0xBE888889, v0;
	v1 =	vsel vm9, $0xBF3BBBBC, v1  }
0xc: {  	s24 =	simm.s32 $0x0;
	[smem:$0x7FF] =	sst s5;
	s7 =	sshll.u32 s0, $0x11;
	v0 =	vsel vm10, $0xBE99999A, v0;
	v1 =	vsel vm10, $0xBF444445, v1  }
.Ltmp0:
0xd: {  	s0 =	ssub.s32 $0x2, s0;
	s6 =	sand.u32 $0xFC0000, s6;
	v0 =	vsel vm11, $0xBEAAAAAB, v0;
	v1 =	vsel vm11, $0xBF4CCCCE, v1;
	(pc) =	sbr.rel .LBB2_1-.Ltmp0, $4  }
0xe: {  	vm14 =	vcmask $0x3734;
	s8 =	sshrl.u32 s0, $0x1;
	s7 =	sor.u32 s7, s6;
	s6 =	smul.u32 $0x18, s4;
	v0 =	vsel vm12, $0xBEBBBBBC, v0;
	v1 =	vsel vm12, $0xBF555556, v1  }
0xf: {  	_ =	strace $0x80000047;
	s0 =	ssub.s32 s0, s8;
	s31 =	sshrl.u32 s7, $0x3;
	v0 =	vsel vm13, $0xBECCCCCE, v0;
	v1 =	vsel vm13, $0xBF5DDDDF, v1  }
0x10: {  	s12 =	smax.u32 s0, $0x1;
	vm15 =	vcmask $0x3B38;
	s7 =	sadd.s32 s1, s31;
	s9 =	sor.u32 $0x2, s6;
	v0 =	vsel vm14, $0xBEDDDDDF, v0;
	v1 =	vsel vm14, $0xBF666667, v1  }
0x11: {  	s10 =	sor.u32 $0x1, s6;
	s11 =	sor.u32 $0x3, s6;
	s8 =	sadd.s32 $0x800, s7;
	v0 =	vsel vm15, $0xBEEEEEF0, v0;
	v1 =	vsel vm15, $0xBF6EEEF0, v1  }
.LBB2_8:
0x12: {  	s24 =	sadd.s32 $0x1, s24  }
0x13: {  	_ =	swait.ge [sflag:s22], $0x4000;
	p0 =	sne.s32 s24, s12  }
.Ltmp1:
0x14: {  	[sflag:s22] =	ssyncset.done $0x0;
	(pc) =	sbr.rel @!p0 .LBB2_9-.Ltmp1, $4  }
0x15: {  	[sflag:s22] =	ssyncadd.s32 $0xFFFFC000  }
0x16: {  	_ =	swait.ge [sflag:s23], $0x4000  }
0x17: {  	[sflag:s23] =	ssyncset.done $0x0  }
0x18: {  	[sflag:s23] =	ssyncadd.s32 $0xFFFFC000  }
.LBB2_1:
0x19: {  	s0 =	rddreg [dreg:$0x1]  }
0x1a: {  	[tilespmem:s5], [sflag:$0x5] =	stream.linear.gather [hbm4b:s0+s5], $0x80, $0x38;
	[tilespmem:$0x10180] =	vst v63  }
0x1b: {  	_ =	swait.ge [sflag:s13], $0x80  }
0x1c: {  	[sflag:s13] =	ssyncset.done $0x0  }
0x1d: {  	[sflag:s13] =	ssyncadd.s32 $0xFFFFFF80  }
0x1e: {  	v2 =	vld [tilespmem:$0x0]  }
0x1f: {  	v3 =	vld [tilespmem:$0x1]  }
0x20: {  	v4 =	vld [tilespmem:$0xE]  }
0x21: {  	v5 =	vld [tilespmem:$0xF];
	_ =	sdelay $0x2  }
0x22: {  	v3 =	vsub.f32 v3, v2;
	_ =	sdelay $0x1  }
0x23: {  	v5 =	vsub.f32 v5, v4;
	v3 =	vmul.f32 $3.000000000e+01, v3;
	_ =	sdelay $0x1  }
0x24: {  	v5 =	vmul.f32 $3.000000000e+01, v5;
	v6 =	vmul.f32 v0, v3;
	_ =	sdelay $0x1  }
0x25: {  	v63 =	vmul.f32 v1, v5;
	v2 =	vadd.f32 v6, v2  }
0x26: {  	[tilespmem:$0x80] =	vst v3  }
0x27: {  	[tilespmem:$0x100] =	vst v2;
	v2 =	vadd.f32 v63, v4  }
0x28: {  	[tilespmem:$0x8E] =	vst v5  }
0x29: {  	s31 =	simm.s32 $0x180;
	[tilespmem:$0x10E] =	vst v2  }
0x2a: {  	[tilespmem:s31], [sflag:$0x1] =	stream.linear.gather [hbm4b:s7+s5], $0x4000, $0x38;
	[tilespmem:$0x10180] =	vst v63  }
0x2b: {  	s25 =	simm.s32 $0x0  }
0x2c: {  	[tilespmem:s15], [sflag:$0x2] =	stream.linear.gather [hbm4b:s8+s5], $0x4000, $0x38;
	[tilespmem:$0x10180] =	vst v63  }
.LBB2_2:
0x2d: {  	_ =	swait.ge [sflag:s16], $0x4000;
	p0 =	seq.s32 s25, $0x0  }
0x2e: {  	s4 =	simm.s32 $0x0;
	s26 =	simm.s32 $0x0;
	[sflag:s16] =	ssyncset.done $0x0  }
0x2f: {  	s28 =	simm.s32 $0x0;
	s0 =	simm.s32 @!p0 $0x3;
	[sflag:s16] =	ssyncadd.s32 $0xFFFFC000  }
0x30: {  	s26 =	sand.u32 $0x3000, s26;
	s4 =	sand.u32 $0xC00, s4;
	_ =	swait.ge @!p0 [sflag:s0], $0x4000  }
0x31: {  	s14 =	sand.u32 $0x380, s28;
	s4 =	sor.u32 s4, s26;
	[sflag:s0] =	ssyncset.done @!p0 $0x0  }
0x32: {  	s28 =	sor.u32 s14, s4;
	[sflag:s0] =	ssyncadd.s32 @!p0 $0xFFFFC000  }
0x33: {  	v14 =	vld [tilespmem:s28+$0x1F0]  }
0x34: {  	v3 =	vld [tilespmem:s28+$0x180]  }
0x35: {  	v2 =	vld [tilespmem:s28+$0x190]  }
0x36: {  	v4 =	vld [tilespmem:s28+$0x1A0]  }
0x37: {  	v6 =	vld [tilespmem:s28+$0x1B0]  }
0x38: {  	v5 =	vld [tilespmem:s28+$0x1C0];
	_ =	sdelay $0x2  }
0x39: {  	v7 =	vmul.f32 $3.000000000e+01, v14;
	v9 =	vmul.f32 $3.000000000e+01, v3  }
0x3a: {  	v11 =	vmul.f32 $3.000000000e+01, v2;
	v12 =	vmul.f32 $3.000000000e+01, v4  }
0x3b: {  	v13 =	vmul.f32 $3.000000000e+01, v6;
	v15 =	vmul.f32 $3.000000000e+01, v5  }
0x3c: {  	v8 =	vtrunc.f32 v7;
	v9 =	vtrunc.f32 v9  }
0x3d: {  	v11 =	vtrunc.f32 v11;
	v12 =	vtrunc.f32 v12  }
0x3e: {  	v13 =	vtrunc.f32 v13;
	v15 =	vtrunc.f32 v15  }
0x3f: {  	v7 =	vld [tilespmem:s28+$0x1D0];
	v10 =	vcvt.f32.s32 v8;
	v9 =	vcvt.f32.s32 v9  }
0x40: {  	s30 =	simm.s32 $0x400;
	s26 =	simm.s32 $0x80;
	v11 =	vcvt.f32.s32 v11;
	v12 =	vcvt.f32.s32 v12  }
0x41: {  	s2 =	sand.u32 $0xC00, s30;
	s14 =	simm.s32 $0x20;
	s0 =	sand.u32 $0x3000, s26;
	v13 =	vcvt.f32.s32 v13;
	v15 =	vcvt.f32.s32 v15  }
0x42: {  	s26 =	sand.u32 $0x380, s14;
	s0 =	sor.u32 s2, s0;
	v8 =	vld [tilespmem:s28+$0x1E0];
	vm0 =	vgt.s32 v10, $0x0;
	vm14 =	vgt.s32 v9, $0x0;
	vm1 =	vgt.s32 v11, $0x0  }
0x43: {  	s29 =	sor.u32 s26, s0;
	vm2 =	vgt.s32 v12, $0x0;
	vm4 =	vgt.s32 v15, $0x0;
	v10 =	vnsel vm0, $0x0, v10  }
0x44: {  	v21 =	vnsel vm14, $0x0, v9;
	v9 =	vld [tilespmem:s29+$0x190];
	v10 =	vmin.u32 v10, $0x1D;
	v16 =	vmul.f32 $3.000000000e+01, v7  }
0x45: {  	vm3 =	vgt.s32 v13, $0x0;
	v22 =	vnsel vm1, $0x0, v11;
	v15 =	vnsel vm4, $0x0, v15;
	v11 =	vld [tilespmem:s29+$0x1A0]  }
0x46: {  	v23 =	vnsel vm2, $0x0, v12;
	v34 =	vmin.u32 v15, $0x1D;
	v15 =	vld [tilespmem:s29+$0x1E0];
	v16 =	vtrunc.f32 v16  }
0x47: {  	v13 =	vnsel vm3, $0x0, v13;
	v17 =	vmul.f32 $3.000000000e+01, v8;
	v19 =	vcvt.f32.s32 v16;
	v16 =	vld [tilespmem:s29+$0x1F0]  }
0x48: {  	v23 =	vmin.u32 v23, $0x1D;
	v33 =	vmin.u32 v13, $0x1D;
	v13 =	vld [tilespmem:s29+$0x1C0]  }
0x49: {  	v17 =	vtrunc.f32 v17;
	v18 =	vld.idx.msk [tilespmem:v10+s17+$0x0], $0xffff  }
0x4a: {  	v12 =	vld [tilespmem:s29+$0x1B0];
	v26 =	vmin.u32 v21, $0x1D;
	v17 =	vcvt.f32.s32 v17;
	v25 =	vmul.f32 $3.000000000e+01, v9  }
0x4b: {  	v28 =	vmin.u32 v22, $0x1D;
	v27 =	vmul.f32 $3.000000000e+01, v11;
	v20 =	vld.idx.msk [tilespmem:v10+s18+$0x0], $0xffff;
	v37 =	vmul.f32 $3.000000000e+01, v15  }
0x4c: {  	vm15 =	vgt.s32 v19, $0x0;
	v10 =	vld [tilespmem:s29+$0x180];
	v32 =	vtrunc.f32 v25;
	v21 =	vmul.f32 $3.000000000e+01, v16  }
0x4d: {  	v19 =	vnsel vm15, $0x0, v19;
	v25 =	vmul.f32 $3.000000000e+01, v13;
	v42 =	vcvt.f32.s32 v32;
	v32 =	vld.idx.msk [tilespmem:v23+s18+$0x0], $0xffff  }
0x4e: {  	v22 =	vmul.f32 v18, v14;
	v14 =	vld [tilespmem:s29+$0x1D0];
	v18 =	vmin.u32 v19, $0x1D;
	v19 =	vtrunc.f32 v21  }
0x4f: {  	vm5 =	vgt.s32 v17, $0x0;
	v35 =	vtrunc.f32 v27;
	v21 =	vld.idx.msk [tilespmem:v23+s17+$0x0], $0xffff;
	v29 =	vcvt.f32.s32 v19  }
0x50: {  	v17 =	vnsel vm5, $0x0, v17;
	v37 =	vtrunc.f32 v37;
	v43 =	vcvt.f32.s32 v35;
	v19 =	vld.idx.msk [tilespmem:v26+s17+$0x0], $0xffff  }
0x51: {  	v24 =	vmul.f32 $3.000000000e+01, v10;
	v30 =	vadd.f32 v20, v22;
	v20 =	vld.idx.msk [tilespmem:v28+s17+$0x0], $0xffff;
	vm8 =	vgt.s32 v29, $0x0  }
0x52: {  	v38 =	vtrunc.f32 v25;
	v37 =	vcvt.f32.s32 v37;
	v22 =	vld.idx.msk [tilespmem:v33+s17+$0x0], $0xffff;
	v29 =	vnsel vm8, $0x0, v29  }
0x53: {  	v31 =	vtrunc.f32 v24;
	v24 =	vmul.f32 $3.000000000e+01, v12;
	v33 =	vld.idx.msk [tilespmem:v33+s18+$0x0], $0xffff;
	v29 =	vmin.u32 v29, $0x1D  }
0x54: {  	v17 =	vmin.u32 v17, $0x1D;
	v38 =	vcvt.f32.s32 v38;
	v40 =	vcvt.f32.s32 v31;
	v31 =	vld.idx.msk [tilespmem:v26+s18+$0x0], $0xffff  }
0x55: {  	vm10 =	vgt.s32 v42, $0x0;
	v36 =	vtrunc.f32 v24;
	v24 =	vld.idx.msk [tilespmem:v34+s17+$0x0], $0xffff;
	v27 =	vmul.f32 $3.000000000e+01, v14  }
0x56: {  	vm11 =	vgt.s32 v43, $0x0;
	vm15 =	vgt.s32 v37, $0x0;
	vm13 =	vgt.s32 v38, $0x0;
	v34 =	vld.idx.msk [tilespmem:v34+s18+$0x0], $0xffff  }
0x57: {  	v37 =	vnsel vm15, $0x0, v37;
	v30 =	vmax.f32 v30, $0.0e+00;
	v25 =	vld.idx.msk [tilespmem:v18+s17+$0x0], $0xffff;
	v39 =	vtrunc.f32 v27  }
0x58: {  	vm9 =	vgt.s32 v40, $0x0;
	v26 =	vcvt.f32.s32 v36;
	v44 =	vcvt.f32.s32 v39;
	v36 =	vld.idx.msk [tilespmem:v29+s17+$0x0], $0xffff  }
0x59: {  	v41 =	vmin.f32 v30, $1.000000000e+00;
	v30 =	vld.idx.msk [tilespmem:v28+s18+$0x0], $0xffff;
	v28 =	vnsel vm9, $0x0, v40;
	v40 =	vnsel vm11, $0x0, v43  }
0x5a: {  	s26 =	sshll.u32 s25, $0x1;
	[tilespmem:s28+$0x81F0] =	vst v41;
	v41 =	vnsel vm13, $0x0, v38;
	vm12 =	vgt.s32 v26, $0x0;
	vm14 =	vgt.s32 v44, $0x0;
	v35 =	vld.idx.msk [tilespmem:v29+s18+$0x0], $0xffff  }
0x5b: {  	s0 =	simm.s32 $0x8;
	s31 =	sadd.s32 s6, s26;
	v27 =	vld.idx.msk [tilespmem:v17+s17+$0x0], $0xffff;
	v39 =	vnsel vm12, $0x0, v26;
	v29 =	vnsel vm10, $0x0, v42;
	v38 =	vnsel vm14, $0x0, v44  }
.LBB2_3:
0x5c: {  	s0 =	sadd.s32 $0x8, s0;
	v42 =	vmin.u32 v28, $0x1D;
	v29 =	vmin.u32 v29, $0x1D;
	v28 =	vmin.u32 v40, $0x1D;
	v40 =	vld.idx.msk [tilespmem:v18+s18+$0x0], $0xffff  }
0x5d: {  	v26 =	vmin.u32 v39, $0x1D;
	v23 =	vmin.u32 v41, $0x1D;
	v16 =	vmul.f32 v36, v16;
	s30 =	sadd.s32 $0x400, s30;
	s4 =	sshll.u32 s0, $0x4;
	p1 =	slt.u32 s0, $0x3F8;
	v36 =	vld.idx.msk [tilespmem:v17+s18+$0x0], $0xffff  }
0x5e: {  	v18 =	vmin.u32 v38, $0x1D;
	v19 =	vmul.f32 v19, v3;
	v3 =	vmovc v10;
	s2 =	sand.u32 $0xC00, s30;
	s14 =	sshll.u32 s0, $0x2;
	v17 =	vmin.u32 v37, $0x1D;
	s4 =	sand.u32 $0x3000, s4  }
0x5f: {  	v20 =	vmul.f32 v20, v2;
	v21 =	vmul.f32 v21, v4;
	v2 =	vmovc v9;
	v10 =	vadd.f32 v35, v16;
	s2 =	sor.u32 s2, s4;
	s4 =	sand.u32 $0x380, s14  }
0x60: {  	v22 =	vmul.f32 v22, v6;
	v24 =	vmul.f32 v24, v5;
	v4 =	vmovc v11;
	v19 =	vadd.f32 v31, v19;
	s4 =	sor.u32 s4, s2  }
0x61: {  	v25 =	vmul.f32 v25, v7;
	v27 =	vmul.f32 v27, v8;
	v6 =	vmovc v12;
	v5 =	vmovc v13;
	v9 =	vmax.f32 v10, $0.0e+00;
	v16 =	vld [tilespmem:s4+$0x1F0]  }
0x62: {  	v7 =	vmovc v14;
	v8 =	vmovc v15;
	v12 =	vadd.f32 v30, v20;
	v13 =	vadd.f32 v32, v21;
	v11 =	vmin.f32 v9, $1.000000000e+00;
	v10 =	vld [tilespmem:s4+$0x180]  }
0x63: {  	v14 =	vadd.f32 v33, v22;
	v15 =	vmax.f32 v19, $0.0e+00;
	v19 =	vadd.f32 v34, v24;
	v9 =	vld [tilespmem:s4+$0x190];
	[tilespmem:s29+$0x81F0] =	vst v11  }
0x64: {  	v20 =	vmax.f32 v12, $0.0e+00;
	v21 =	vadd.f32 v40, v25;
	v22 =	vadd.f32 v36, v27;
	v11 =	vld [tilespmem:s4+$0x1A0]  }
0x65: {  	v24 =	vmax.f32 v13, $0.0e+00;
	v25 =	vmax.f32 v14, $0.0e+00;
	v27 =	vmax.f32 v19, $0.0e+00;
	v12 =	vld [tilespmem:s4+$0x1B0]  }
0x66: {  	v30 =	vmax.f32 v21, $0.0e+00;
	v31 =	vmax.f32 v22, $0.0e+00;
	v13 =	vld [tilespmem:s4+$0x1C0];
	v19 =	vmul.f32 $3.000000000e+01, v16  }
0x67: {  	v20 =	vmin.f32 v20, $1.000000000e+00;
	v22 =	vmin.f32 v15, $1.000000000e+00;
	v21 =	vmul.f32 $3.000000000e+01, v10;
	v14 =	vld [tilespmem:s4+$0x1D0]  }
0x68: {  	v32 =	vmul.f32 $3.000000000e+01, v9;
	v15 =	vld [tilespmem:s4+$0x1E0];
	v19 =	vtrunc.f32 v19;
	[tilespmem:s28+$0x8180] =	vst v22;
	v22 =	vmin.f32 v24, $1.000000000e+00  }
0x69: {  	v25 =	vmin.f32 v25, $1.000000000e+00;
	v24 =	vmul.f32 $3.000000000e+01, v11;
	v33 =	vcvt.f32.s32 v19;
	v19 =	vld.idx.msk [tilespmem:v42+s17+$0x0], $0xffff;
	[tilespmem:s28+$0x8190] =	vst v20  }
0x6a: {  	v27 =	vmin.f32 v27, $1.000000000e+00;
	v34 =	vtrunc.f32 v21;
	v35 =	vmul.f32 $3.000000000e+01, v12;
	v20 =	vld.idx.msk [tilespmem:v29+s17+$0x0], $0xffff;
	[tilespmem:s28+$0x81A0] =	vst v22  }
0x6b: {  	v32 =	vtrunc.f32 v32;
	v36 =	vmul.f32 $3.000000000e+01, v13;
	vm0 =	vgt.s32 v33, $0x0;
	v21 =	vld.idx.msk [tilespmem:v28+s17+$0x0], $0xffff;
	[tilespmem:s28+$0x81B0] =	vst v25  }
0x6c: {  	v37 =	vtrunc.f32 v24;
	v25 =	vmul.f32 $3.000000000e+01, v14;
	v24 =	vnsel vm0, $0x0, v33;
	v22 =	vld.idx.msk [tilespmem:v26+s17+$0x0], $0xffff;
	[tilespmem:s28+$0x81C0] =	vst v27  }
0x6d: {  	v33 =	vtrunc.f32 v35;
	v27 =	vmul.f32 $3.000000000e+01, v15;
	v35 =	vmin.u32 v24, $0x1D;
	v24 =	vld.idx.msk [tilespmem:v23+s17+$0x0], $0xffff  }
0x6e: {  	v30 =	vmin.f32 v30, $1.000000000e+00;
	v36 =	vtrunc.f32 v36;
	v38 =	vtrunc.f32 v25;
	v25 =	vld.idx.msk [tilespmem:v18+s17+$0x0], $0xffff  }
0x6f: {  	v34 =	vcvt.f32.s32 v34;
	v39 =	vtrunc.f32 v27;
	v27 =	vld.idx.msk [tilespmem:v17+s17+$0x0], $0xffff;
	[tilespmem:s28+$0x81D0] =	vst v30;
	v30 =	vmin.f32 v31, $1.000000000e+00  }
0x70: {  	v40 =	vcvt.f32.s32 v32;
	v37 =	vcvt.f32.s32 v37;
	v31 =	vld.idx.msk [tilespmem:v42+s18+$0x0], $0xffff;
	[tilespmem:s28+$0x81E0] =	vst v30;
	s28 =	smov.u32 s29;
	s29 =	smov.u32 s4  }
0x71: {  	vm0 =	vgt.s32 v34, $0x0;
	v33 =	vcvt.f32.s32 v33;
	v41 =	vcvt.f32.s32 v36;
	v30 =	vld.idx.msk [tilespmem:v29+s18+$0x0], $0xffff  }
.Ltmp2:
0x72: {  	vm1 =	vgt.s32 v40, $0x0;
	v38 =	vcvt.f32.s32 v38;
	v42 =	vcvt.f32.s32 v39;
	v36 =	vld.idx.msk [tilespmem:v35+s17+$0x0], $0xffff;
	(pc) =	sbr.rel @p1 .LBB2_3-.Ltmp2, $4  }
0x73: {  	vm2 =	vgt.s32 v37, $0x0;
	vm3 =	vgt.s32 v33, $0x0;
	vm4 =	vgt.s32 v41, $0x0;
	v32 =	vld.idx.msk [tilespmem:v28+s18+$0x0], $0xffff  }
0x74: {  	vm5 =	vgt.s32 v42, $0x0;
	v28 =	vnsel vm0, $0x0, v34;
	vm0 =	vgt.s32 v38, $0x0;
	v35 =	vld.idx.msk [tilespmem:v35+s18+$0x0], $0xffff  }
0x75: {  	v39 =	vnsel vm3, $0x0, v33;
	v29 =	vnsel vm1, $0x0, v40;
	v40 =	vnsel vm2, $0x0, v37;
	v33 =	vld.idx.msk [tilespmem:v26+s18+$0x0], $0xffff  }
0x76: {  	v41 =	vnsel vm4, $0x0, v41;
	v37 =	vnsel vm5, $0x0, v42;
	v38 =	vnsel vm0, $0x0, v38;
	v34 =	vld.idx.msk [tilespmem:v23+s18+$0x0], $0xffff  }
0x77: {  	_ = 	snop  }
0x78: {  	v23 =	vmin.u32 v28, $0x1D  }
0x79: {  	v26 =	vmin.u32 v29, $0x1D  }
0x7a: {  	v28 =	vmin.u32 v40, $0x1D  }
0x7b: {  	v18 =	vld.idx.msk [tilespmem:v18+s18+$0x0], $0xffff;
	v29 =	vmin.u32 v39, $0x1D  }
0x7c: {  	v52 =	vmin.u32 v41, $0x1D;
	v17 =	vld.idx.msk [tilespmem:v17+s18+$0x0], $0xffff  }
0x7d: {  	v16 =	vmul.f32 v36, v16;
	v53 =	vmin.u32 v38, $0x1D;
	v3 =	vmul.f32 v19, v3;
	v19 =	vld.idx.msk [tilespmem:v23+s17+$0x0], $0xffff  }
0x7e: {  	v37 =	vmin.u32 v37, $0x1D;
	v2 =	vmul.f32 v20, v2;
	v4 =	vmul.f32 v21, v4;
	v20 =	vld.idx.msk [tilespmem:v26+s17+$0x0], $0xffff  }
0x7f: {  	v6 =	vmul.f32 v22, v6;
	v5 =	vmul.f32 v24, v5;
	v16 =	vadd.f32 v35, v16;
	v21 =	vld.idx.msk [tilespmem:v28+s17+$0x0], $0xffff  }
0x80: {  	v7 =	vmul.f32 v25, v7;
	v8 =	vmul.f32 v27, v8;
	v3 =	vadd.f32 v31, v3;
	v22 =	vld.idx.msk [tilespmem:v29+s17+$0x0], $0xffff  }
0x81: {  	v2 =	vadd.f32 v30, v2;
	v4 =	vadd.f32 v32, v4;
	v16 =	vmax.f32 v16, $0.0e+00;
	v24 =	vld.idx.msk [tilespmem:v52+s17+$0x0], $0xffff  }
0x82: {  	v6 =	vadd.f32 v33, v6;
	v3 =	vmax.f32 v3, $0.0e+00;
	v16 =	vmin.f32 v16, $1.000000000e+00;
	v25 =	vld.idx.msk [tilespmem:v53+s17+$0x0], $0xffff  }
0x83: {  	v5 =	vadd.f32 v34, v5;
	v2 =	vmax.f32 v2, $0.0e+00;
	v3 =	vmin.f32 v3, $1.000000000e+00;
	[tilespmem:s29+$0x81F0] =	vst v16;
	v16 =	vld.idx.msk [tilespmem:v37+s17+$0x0], $0xffff  }
0x84: {  	v4 =	vmax.f32 v4, $0.0e+00;
	v7 =	vadd.f32 v18, v7;
	v2 =	vmin.f32 v2, $1.000000000e+00;
	[tilespmem:s28+$0x8180] =	vst v3;
	v3 =	vld.idx.msk [tilespmem:v23+s18+$0x0], $0xffff  }
0x85: {  	v8 =	vadd.f32 v17, v8;
	v6 =	vmax.f32 v6, $0.0e+00;
	v4 =	vmin.f32 v4, $1.000000000e+00;
	[tilespmem:s28+$0x8190] =	vst v2;
	v2 =	vld.idx.msk [tilespmem:v26+s18+$0x0], $0xffff  }
0x86: {  	v5 =	vmax.f32 v5, $0.0e+00;
	v6 =	vmin.f32 v6, $1.000000000e+00;
	[tilespmem:s28+$0x81A0] =	vst v4;
	v4 =	vld.idx.msk [tilespmem:v28+s18+$0x0], $0xffff;
	v7 =	vmax.f32 v7, $0.0e+00  }
0x87: {  	v8 =	vmax.f32 v8, $0.0e+00;
	v5 =	vmin.f32 v5, $1.000000000e+00;
	[tilespmem:s28+$0x81B0] =	vst v6;
	v6 =	vld.idx.msk [tilespmem:v29+s18+$0x0], $0xffff;
	v10 =	vmul.f32 v19, v10  }
0x88: {  	[tilespmem:s28+$0x81C0] =	vst v5;
	v5 =	vmin.f32 v7, $1.000000000e+00;
	v7 =	vmin.f32 v8, $1.000000000e+00;
	v8 =	vld.idx.msk [tilespmem:v52+s18+$0x0], $0xffff;
	v9 =	vmul.f32 v20, v9  }
0x89: {  	v17 =	vld.idx.msk [tilespmem:v53+s18+$0x0], $0xffff;
	v11 =	vmul.f32 v21, v11;
	v13 =	vmul.f32 v24, v13;
	v3 =	vadd.f32 v3, v10  }
0x8a: {  	v14 =	vmul.f32 v25, v14;
	v10 =	vmul.f32 v22, v12;
	v12 =	vld.idx.msk [tilespmem:v37+s18+$0x0], $0xffff;
	v2 =	vadd.f32 v2, v9  }
0x8b: {  	[tilespmem:s28+$0x81D0] =	vst v5;
	v5 =	vmul.f32 v16, v15;
	v4 =	vadd.f32 v4, v11;
	v3 =	vmax.f32 v3, $0.0e+00  }
0x8c: {  	[tilespmem:s28+$0x81E0] =	vst v7;
	v6 =	vadd.f32 v6, v10;
	v2 =	vmax.f32 v2, $0.0e+00;
	v3 =	vmin.f32 v3, $1.000000000e+00  }
0x8d: {  	v7 =	vadd.f32 v8, v13;
	v4 =	vmax.f32 v4, $0.0e+00;
	v2 =	vmin.f32 v2, $1.000000000e+00;
	[tilespmem:s29+$0x8180] =	vst v3  }
0x8e: {  	v4 =	vmin.f32 v4, $1.000000000e+00;
	v3 =	vadd.f32 v17, v14;
	v6 =	vmax.f32 v6, $0.0e+00;
	[tilespmem:s29+$0x8190] =	vst v2  }
0x8f: {  	[tilespmem:s29+$0x81A0] =	vst v4;
	v2 =	vadd.f32 v12, v5;
	v5 =	vmax.f32 v7, $0.0e+00;
	v6 =	vmin.f32 v6, $1.000000000e+00  }
0x90: {  	v3 =	vmax.f32 v3, $0.0e+00;
	v4 =	vmin.f32 v5, $1.000000000e+00;
	[tilespmem:s29+$0x81B0] =	vst v6  }
0x91: {  	v2 =	vmax.f32 v2, $0.0e+00;
	[tilespmem:s29+$0x81C0] =	vst v4;
	v3 =	vmin.f32 v3, $1.000000000e+00  }
0x92: {  	s0 =	sshll.u32 s31, $0xB;
	[tilespmem:s29+$0x81D0] =	vst v3;
	v2 =	vmin.f32 v2, $1.000000000e+00  }
0x93: {  	p1 =	seq.s32 s25, $0xB;
	s0 =	sadd.s32 s3, s0;
	[tilespmem:s29+$0x81E0] =	vst v2  }
0x94: {  	[hbm4b:s0+s5] =	stream.linear.scatter [tilespmem:s19], [sflag:$0x3], $0x4000, $0x38;
	[tilespmem:$0x10180] =	vst v63  }
0x95: {  	s0 =	sadd.s32 @!p1 s26, s9  }
0x96: {  	s0 =	sshll.u32 @!p1 s0, $0xB  }
0x97: {  	s0 =	sand.u32 @!p1 $0xFFFF000, s0  }
0x98: {  	s2 =	simm.s32 @!p1 $0x0;
	s4 =	simm.s32 @!p1 $0x180;
	s0 =	sadd.s32 @!p1 s1, s0  }
0x99: {  	[tilespmem:s4], [sflag:$0x1] =	stream.linear.gather @!p1 [hbm4b:s0+s2], $0x4000, $0x38;
	[tilespmem:$0x10180] =	vst v63  }
0x9a: {  	_ =	swait.ge [sflag:s20], $0x4000  }
0x9b: {  	s14 =	simm.s32 $0x0;
	s0 =	simm.s32 @!p0 $0x4;
	[sflag:s20] =	ssyncset.done $0x0  }
0x9c: {  	s2 =	simm.s32 $0x0;
	s4 =	sand.u32 $0x3000, s14;
	[sflag:s20] =	ssyncadd.s32 $0xFFFFC000  }
0x9d: {  	s14 =	simm.s32 $0x0;
	s2 =	sand.u32 $0xC00, s2;
	_ =	swait.ge @!p0 [sflag:s0], $0x4000  }
0x9e: {  	s14 =	sand.u32 $0x380, s14;
	s2 =	sor.u32 s2, s4;
	[sflag:s0] =	ssyncset.done @!p0 $0x0  }
0x9f: {  	s28 =	sor.u32 s14, s2;
	[sflag:s0] =	ssyncadd.s32 @!p0 $0xFFFFC000  }
0xa0: {  	v14 =	vld [tilespmem:s28+$0x41F0]  }
0xa1: {  	v3 =	vld [tilespmem:s28+$0x4180]  }
0xa2: {  	v2 =	vld [tilespmem:s28+$0x4190]  }
0xa3: {  	v4 =	vld [tilespmem:s28+$0x41A0]  }
0xa4: {  	v6 =	vld [tilespmem:s28+$0x41B0]  }
0xa5: {  	v5 =	vld [tilespmem:s28+$0x41C0];
	_ =	sdelay $0x2  }
0xa6: {  	v7 =	vmul.f32 $3.000000000e+01, v14;
	v9 =	vmul.f32 $3.000000000e+01, v3  }
0xa7: {  	v11 =	vmul.f32 $3.000000000e+01, v2;
	v12 =	vmul.f32 $3.000000000e+01, v4  }
0xa8: {  	v13 =	vmul.f32 $3.000000000e+01, v6;
	v15 =	vmul.f32 $3.000000000e+01, v5  }
0xa9: {  	v8 =	vtrunc.f32 v7;
	v9 =	vtrunc.f32 v9  }
0xaa: {  	v11 =	vtrunc.f32 v11;
	v12 =	vtrunc.f32 v12  }
0xab: {  	v13 =	vtrunc.f32 v13;
	v15 =	vtrunc.f32 v15  }
0xac: {  	v7 =	vld [tilespmem:s28+$0x41D0];
	v10 =	vcvt.f32.s32 v8;
	v9 =	vcvt.f32.s32 v9  }
0xad: {  	s30 =	simm.s32 $0x400;
	s2 =	simm.s32 $0x80;
	v11 =	vcvt.f32.s32 v11;
	v12 =	vcvt.f32.s32 v12  }
0xae: {  	s4 =	sand.u32 $0xC00, s30;
	s14 =	simm.s32 $0x20;
	s0 =	sand.u32 $0x3000, s2;
	v13 =	vcvt.f32.s32 v13;
	v15 =	vcvt.f32.s32 v15  }
0xaf: {  	s14 =	sand.u32 $0x380, s14;
	s0 =	sor.u32 s4, s0;
	v8 =	vld [tilespmem:s28+$0x41E0];
	vm0 =	vgt.s32 v10, $0x0;
	vm14 =	vgt.s32 v9, $0x0;
	vm1 =	vgt.s32 v11, $0x0  }
0xb0: {  	s29 =	sor.u32 s14, s0;
	vm2 =	vgt.s32 v12, $0x0;
	vm4 =	vgt.s32 v15, $0x0;
	v10 =	vnsel vm0, $0x0, v10  }
0xb1: {  	v21 =	vnsel vm14, $0x0, v9;
	v9 =	vld [tilespmem:s29+$0x4190];
	v10 =	vmin.u32 v10, $0x1D;
	v16 =	vmul.f32 $3.000000000e+01, v7  }
0xb2: {  	vm3 =	vgt.s32 v13, $0x0;
	v22 =	vnsel vm1, $0x0, v11;
	v15 =	vnsel vm4, $0x0, v15;
	v11 =	vld [tilespmem:s29+$0x41A0]  }
0xb3: {  	v23 =	vnsel vm2, $0x0, v12;
	v55 =	vmin.u32 v15, $0x1D;
	v15 =	vld [tilespmem:s29+$0x41E0];
	v16 =	vtrunc.f32 v16  }
0xb4: {  	v13 =	vnsel vm3, $0x0, v13;
	v17 =	vmul.f32 $3.000000000e+01, v8;
	v19 =	vcvt.f32.s32 v16;
	v16 =	vld [tilespmem:s29+$0x41F0]  }
0xb5: {  	v23 =	vmin.u32 v23, $0x1D;
	v54 =	vmin.u32 v13, $0x1D;
	v13 =	vld [tilespmem:s29+$0x41C0]  }
0xb6: {  	v17 =	vtrunc.f32 v17;
	v18 =	vld.idx.msk [tilespmem:v10+s17+$0x0], $0xffff  }
0xb7: {  	v12 =	vld [tilespmem:s29+$0x41B0];
	v26 =	vmin.u32 v21, $0x1D;
	v17 =	vcvt.f32.s32 v17;
	v25 =	vmul.f32 $3.000000000e+01, v9  }
0xb8: {  	v27 =	vmin.u32 v22, $0x1D;
	v28 =	vmul.f32 $3.000000000e+01, v11;
	v20 =	vld.idx.msk [tilespmem:v10+s18+$0x0], $0xffff;
	v59 =	vmul.f32 $3.000000000e+01, v15  }
0xb9: {  	vm15 =	vgt.s32 v19, $0x0;
	v10 =	vld [tilespmem:s29+$0x4180];
	v56 =	vtrunc.f32 v25;
	v21 =	vmul.f32 $3.000000000e+01, v16  }
0xba: {  	v32 =	vld.idx.msk [tilespmem:v23+s18+$0x0], $0xffff;
	v19 =	vnsel vm15, $0x0, v19;
	v25 =	vmul.f32 $3.000000000e+01, v13;
	v57 =	vtrunc.f32 v28  }
0xbb: {  	v33 =	vld.idx.msk [tilespmem:v54+s18+$0x0], $0xffff;
	v22 =	vmul.f32 v18, v14;
	v18 =	vmin.u32 v19, $0x1D;
	v19 =	vtrunc.f32 v21  }
0xbc: {  	v34 =	vld.idx.msk [tilespmem:v55+s18+$0x0], $0xffff;
	vm5 =	vgt.s32 v17, $0x0;
	v37 =	vtrunc.f32 v59;
	v29 =	vcvt.f32.s32 v19  }
0xbd: {  	v17 =	vnsel vm5, $0x0, v17;
	v42 =	vcvt.f32.s32 v56;
	v43 =	vcvt.f32.s32 v57;
	v14 =	vld [tilespmem:s29+$0x41D0]  }
0xbe: {  	v17 =	vmin.u32 v17, $0x1D;
	v60 =	vtrunc.f32 v25;
	v21 =	vld.idx.msk [tilespmem:v23+s17+$0x0], $0xffff;
	vm8 =	vgt.s32 v29, $0x0  }
0xbf: {  	v37 =	vcvt.f32.s32 v37;
	v24 =	vmul.f32 $3.000000000e+01, v10;
	v19 =	vld.idx.msk [tilespmem:v26+s17+$0x0], $0xffff;
	v29 =	vnsel vm8, $0x0, v29  }
0xc0: {  	v38 =	vcvt.f32.s32 v60;
	v30 =	vadd.f32 v20, v22;
	v20 =	vld.idx.msk [tilespmem:v27+s17+$0x0], $0xffff;
	v29 =	vmin.u32 v29, $0x1D  }
0xc1: {  	vm10 =	vgt.s32 v42, $0x0;
	v31 =	vtrunc.f32 v24;
	v24 =	vmul.f32 $3.000000000e+01, v12;
	v22 =	vld.idx.msk [tilespmem:v54+s17+$0x0], $0xffff  }
0xc2: {  	vm11 =	vgt.s32 v43, $0x0;
	v62 =	vcvt.f32.s32 v31;
	v31 =	vld.idx.msk [tilespmem:v26+s18+$0x0], $0xffff;
	v28 =	vmul.f32 $3.000000000e+01, v14  }
0xc3: {  	vm15 =	vgt.s32 v37, $0x0;
	v40 =	vnsel vm11, $0x0, v43;
	v58 =	vtrunc.f32 v24;
	v24 =	vld.idx.msk [tilespmem:v55+s17+$0x0], $0xffff  }
0xc4: {  	vm13 =	vgt.s32 v38, $0x0;
	v37 =	vnsel vm15, $0x0, v37;
	v25 =	vld.idx.msk [tilespmem:v18+s17+$0x0], $0xffff;
	v61 =	vtrunc.f32 v28  }
0xc5: {  	v30 =	vmax.f32 v30, $0.0e+00;
	v26 =	vcvt.f32.s32 v58;
	v44 =	vcvt.f32.s32 v61;
	v36 =	vld.idx.msk [tilespmem:v29+s17+$0x0], $0xffff  }
0xc6: {  	v41 =	vnsel vm13, $0x0, v38;
	v63 =	vmin.f32 v30, $1.000000000e+00;
	vm9 =	vgt.s32 v62, $0x0;
	v30 =	vld.idx.msk [tilespmem:v27+s18+$0x0], $0xffff  }
0xc7: {  	v27 =	vnsel vm9, $0x0, v62;
	vm12 =	vgt.s32 v26, $0x0;
	vm14 =	vgt.s32 v44, $0x0;
	v35 =	vld.idx.msk [tilespmem:v29+s18+$0x0], $0xffff  }
0xc8: {  	s31 =	sadd.s32 s26, s10;
	s0 =	simm.s32 $0x8;
	[tilespmem:s28+$0xC1F0] =	vst v63;
	v28 =	vld.idx.msk [tilespmem:v17+s17+$0x0], $0xffff;
	v39 =	vnsel vm12, $0x0, v26;
	v29 =	vnsel vm10, $0x0, v42;
	v38 =	vnsel vm14, $0x0, v44  }
.LBB2_5:
0xc9: {  	s0 =	sadd.s32 $0x8, s0;
	v42 =	vmin.u32 v27, $0x1D;
	v29 =	vmin.u32 v29, $0x1D;
	v27 =	vmin.u32 v40, $0x1D;
	v40 =	vld.idx.msk [tilespmem:v18+s18+$0x0], $0xffff  }
0xca: {  	v26 =	vmin.u32 v39, $0x1D;
	v23 =	vmin.u32 v41, $0x1D;
	v16 =	vmul.f32 v36, v16;
	s30 =	sadd.s32 $0x400, s30;
	s2 =	sshll.u32 s0, $0x4;
	p0 =	slt.u32 s0, $0x3F8;
	v36 =	vld.idx.msk [tilespmem:v17+s18+$0x0], $0xffff  }
0xcb: {  	v18 =	vmin.u32 v38, $0x1D;
	v19 =	vmul.f32 v19, v3;
	v3 =	vmovc v10;
	s4 =	sand.u32 $0xC00, s30;
	s14 =	sshll.u32 s0, $0x2;
	v17 =	vmin.u32 v37, $0x1D;
	s2 =	sand.u32 $0x3000, s2  }
0xcc: {  	v20 =	vmul.f32 v20, v2;
	v21 =	vmul.f32 v21, v4;
	v2 =	vmovc v9;
	v10 =	vadd.f32 v35, v16;
	s2 =	sor.u32 s4, s2;
	s4 =	sand.u32 $0x380, s14  }
0xcd: {  	v22 =	vmul.f32 v22, v6;
	v24 =	vmul.f32 v24, v5;
	v4 =	vmovc v11;
	v19 =	vadd.f32 v31, v19;
	s4 =	sor.u32 s4, s2  }
0xce: {  	v25 =	vmul.f32 v25, v7;
	v28 =	vmul.f32 v28, v8;
	v6 =	vmovc v12;
	v5 =	vmovc v13;
	v9 =	vmax.f32 v10, $0.0e+00;
	v16 =	vld [tilespmem:s4+$0x41F0]  }
0xcf: {  	v7 =	vmovc v14;
	v8 =	vmovc v15;
	v12 =	vadd.f32 v30, v20;
	v13 =	vadd.f32 v32, v21;
	v11 =	vmin.f32 v9, $1.000000000e+00;
	v10 =	vld [tilespmem:s4+$0x4180]  }
0xd0: {  	v14 =	vadd.f32 v33, v22;
	v15 =	vmax.f32 v19, $0.0e+00;
	v19 =	vadd.f32 v34, v24;
	v9 =	vld [tilespmem:s4+$0x4190];
	[tilespmem:s29+$0xC1F0] =	vst v11  }
0xd1: {  	v20 =	vmax.f32 v12, $0.0e+00;
	v21 =	vadd.f32 v40, v25;
	v22 =	vadd.f32 v36, v28;
	v11 =	vld [tilespmem:s4+$0x41A0]  }
0xd2: {  	v24 =	vmax.f32 v13, $0.0e+00;
	v25 =	vmax.f32 v14, $0.0e+00;
	v28 =	vmax.f32 v19, $0.0e+00;
	v12 =	vld [tilespmem:s4+$0x41B0]  }
0xd3: {  	v30 =	vmax.f32 v21, $0.0e+00;
	v31 =	vmax.f32 v22, $0.0e+00;
	v13 =	vld [tilespmem:s4+$0x41C0];
	v19 =	vmul.f32 $3.000000000e+01, v16  }
0xd4: {  	v20 =	vmin.f32 v20, $1.000000000e+00;
	v22 =	vmin.f32 v15, $1.000000000e+00;
	v21 =	vmul.f32 $3.000000000e+01, v10;
	v14 =	vld [tilespmem:s4+$0x41D0]  }
0xd5: {  	v32 =	vmul.f32 $3.000000000e+01, v9;
	v15 =	vld [tilespmem:s4+$0x41E0];
	v19 =	vtrunc.f32 v19;
	[tilespmem:s28+$0xC180] =	vst v22;
	v22 =	vmin.f32 v24, $1.000000000e+00  }
0xd6: {  	v25 =	vmin.f32 v25, $1.000000000e+00;
	v24 =	vmul.f32 $3.000000000e+01, v11;
	v33 =	vcvt.f32.s32 v19;
	v19 =	vld.idx.msk [tilespmem:v42+s17+$0x0], $0xffff;
	[tilespmem:s28+$0xC190] =	vst v20  }
0xd7: {  	v28 =	vmin.f32 v28, $1.000000000e+00;
	v34 =	vtrunc.f32 v21;
	v35 =	vmul.f32 $3.000000000e+01, v12;
	v20 =	vld.idx.msk [tilespmem:v29+s17+$0x0], $0xffff;
	[tilespmem:s28+$0xC1A0] =	vst v22  }
0xd8: {  	v32 =	vtrunc.f32 v32;
	v36 =	vmul.f32 $3.000000000e+01, v13;
	vm0 =	vgt.s32 v33, $0x0;
	v21 =	vld.idx.msk [tilespmem:v27+s17+$0x0], $0xffff;
	[tilespmem:s28+$0xC1B0] =	vst v25  }
0xd9: {  	v37 =	vtrunc.f32 v24;
	v25 =	vmul.f32 $3.000000000e+01, v14;
	v24 =	vnsel vm0, $0x0, v33;
	v22 =	vld.idx.msk [tilespmem:v26+s17+$0x0], $0xffff;
	[tilespmem:s28+$0xC1C0] =	vst v28  }
0xda: {  	v33 =	vtrunc.f32 v35;
	v28 =	vmul.f32 $3.000000000e+01, v15;
	v35 =	vmin.u32 v24, $0x1D;
	v24 =	vld.idx.msk [tilespmem:v23+s17+$0x0], $0xffff  }
0xdb: {  	v30 =	vmin.f32 v30, $1.000000000e+00;
	v36 =	vtrunc.f32 v36;
	v38 =	vtrunc.f32 v25;
	v25 =	vld.idx.msk [tilespmem:v18+s17+$0x0], $0xffff  }
0xdc: {  	v34 =	vcvt.f32.s32 v34;
	v39 =	vtrunc.f32 v28;
	v28 =	vld.idx.msk [tilespmem:v17+s17+$0x0], $0xffff;
	[tilespmem:s28+$0xC1D0] =	vst v30;
	v30 =	vmin.f32 v31, $1.000000000e+00  }
0xdd: {  	v40 =	vcvt.f32.s32 v32;
	v37 =	vcvt.f32.s32 v37;
	v31 =	vld.idx.msk [tilespmem:v42+s18+$0x0], $0xffff;
	[tilespmem:s28+$0xC1E0] =	vst v30;
	s28 =	smov.u32 s29;
	s29 =	smov.u32 s4  }
0xde: {  	vm0 =	vgt.s32 v34, $0x0;
	v33 =	vcvt.f32.s32 v33;
	v41 =	vcvt.f32.s32 v36;
	v30 =	vld.idx.msk [tilespmem:v29+s18+$0x0], $0xffff  }
.Ltmp3:
0xdf: {  	vm1 =	vgt.s32 v40, $0x0;
	v38 =	vcvt.f32.s32 v38;
	v42 =	vcvt.f32.s32 v39;
	v36 =	vld.idx.msk [tilespmem:v35+s17+$0x0], $0xffff;
	(pc) =	sbr.rel @p0 .LBB2_5-.Ltmp3, $4  }
0xe0: {  	vm2 =	vgt.s32 v37, $0x0;
	vm3 =	vgt.s32 v33, $0x0;
	vm4 =	vgt.s32 v41, $0x0;
	v32 =	vld.idx.msk [tilespmem:v27+s18+$0x0], $0xffff  }
0xe1: {  	vm5 =	vgt.s32 v42, $0x0;
	v27 =	vnsel vm0, $0x0, v34;
	vm0 =	vgt.s32 v38, $0x0;
	v35 =	vld.idx.msk [tilespmem:v35+s18+$0x0], $0xffff  }
0xe2: {  	v39 =	vnsel vm3, $0x0, v33;
	v29 =	vnsel vm1, $0x0, v40;
	v40 =	vnsel vm2, $0x0, v37;
	v33 =	vld.idx.msk [tilespmem:v26+s18+$0x0], $0xffff  }
0xe3: {  	v41 =	vnsel vm4, $0x0, v41;
	v37 =	vnsel vm5, $0x0, v42;
	v38 =	vnsel vm0, $0x0, v38;
	v34 =	vld.idx.msk [tilespmem:v23+s18+$0x0], $0xffff  }
0xe4: {  	_ = 	snop  }
0xe5: {  	v23 =	vmin.u32 v27, $0x1D  }
0xe6: {  	v26 =	vmin.u32 v29, $0x1D  }
0xe7: {  	v63 =	vmin.u32 v40, $0x1D  }
0xe8: {  	v18 =	vld.idx.msk [tilespmem:v18+s18+$0x0], $0xffff;
	v42 =	vmin.u32 v39, $0x1D  }
0xe9: {  	v43 =	vmin.u32 v41, $0x1D;
	v17 =	vld.idx.msk [tilespmem:v17+s18+$0x0], $0xffff  }
0xea: {  	v44 =	vmin.u32 v38, $0x1D;
	v45 =	vld.idx.msk [tilespmem:v23+s17+$0x0], $0xffff  }
0xeb: {  	v37 =	vmin.u32 v37, $0x1D;
	v46 =	vld.idx.msk [tilespmem:v26+s17+$0x0], $0xffff  }
0xec: {  	v16 =	vmul.f32 v36, v16;
	v3 =	vmul.f32 v19, v3;
	v47 =	vld.idx.msk [tilespmem:v63+s17+$0x0], $0xffff  }
0xed: {  	v2 =	vmul.f32 v20, v2;
	v4 =	vmul.f32 v21, v4;
	v48 =	vld.idx.msk [tilespmem:v42+s17+$0x0], $0xffff  }
0xee: {  	v6 =	vmul.f32 v22, v6;
	v5 =	vmul.f32 v24, v5;
	v16 =	vadd.f32 v35, v16;
	v49 =	vld.idx.msk [tilespmem:v43+s17+$0x0], $0xffff  }
0xef: {  	v7 =	vmul.f32 v25, v7;
	v3 =	vadd.f32 v31, v3;
	v2 =	vadd.f32 v30, v2;
	v50 =	vld.idx.msk [tilespmem:v44+s17+$0x0], $0xffff  }
0xf0: {  	v8 =	vmul.f32 v28, v8;
	v4 =	vadd.f32 v32, v4;
	v6 =	vadd.f32 v33, v6;
	v51 =	vld.idx.msk [tilespmem:v37+s17+$0x0], $0xffff  }
0xf1: {  	v16 =	vmax.f32 v16, $0.0e+00;
	v3 =	vmax.f32 v3, $0.0e+00;
	v5 =	vadd.f32 v34, v5;
	v52 =	vld.idx.msk [tilespmem:v63+s18+$0x0], $0xffff  }
0xf2: {  	v2 =	vmax.f32 v2, $0.0e+00;
	v4 =	vmax.f32 v4, $0.0e+00;
	v3 =	vmin.f32 v3, $1.000000000e+00;
	v53 =	vld.idx.msk [tilespmem:v42+s18+$0x0], $0xffff  }
0xf3: {  	v16 =	vmin.f32 v16, $1.000000000e+00;
	v7 =	vadd.f32 v18, v7;
	v2 =	vmin.f32 v2, $1.000000000e+00;
	[tilespmem:s28+$0xC180] =	vst v3;
	v3 =	vld.idx.msk [tilespmem:v23+s18+$0x0], $0xffff  }
0xf4: {  	v8 =	vadd.f32 v17, v8;
	v6 =	vmax.f32 v6, $0.0e+00;
	v4 =	vmin.f32 v4, $1.000000000e+00;
	[tilespmem:s28+$0xC190] =	vst v2;
	v2 =	vld.idx.msk [tilespmem:v26+s18+$0x0], $0xffff  }
0xf5: {  	v56 =	vld.idx.msk [tilespmem:v43+s18+$0x0], $0xffff;
	v5 =	vmax.f32 v5, $0.0e+00;
	v6 =	vmin.f32 v6, $1.000000000e+00;
	v7 =	vmax.f32 v7, $0.0e+00  }
0xf6: {  	v57 =	vld.idx.msk [tilespmem:v44+s18+$0x0], $0xffff;
	[tilespmem:s29+$0xC1F0] =	vst v16;
	v8 =	vmax.f32 v8, $0.0e+00;
	v5 =	vmin.f32 v5, $1.000000000e+00;
	v10 =	vmul.f32 v45, v10  }
0xf7: {  	v59 =	vld.idx.msk [tilespmem:v37+s18+$0x0], $0xffff;
	[tilespmem:s28+$0xC1A0] =	vst v4;
	v54 =	vmin.f32 v7, $1.000000000e+00;
	v55 =	vmin.f32 v8, $1.000000000e+00;
	v9 =	vmul.f32 v46, v9  }
0xf8: {  	[tilespmem:s28+$0xC1B0] =	vst v6;
	v11 =	vmul.f32 v47, v11;
	v58 =	vmul.f32 v48, v12;
	v3 =	vadd.f32 v3, v10  }
0xf9: {  	[tilespmem:s28+$0xC1C0] =	vst v5;
	v13 =	vmul.f32 v49, v13;
	v14 =	vmul.f32 v50, v14;
	v2 =	vadd.f32 v2, v9  }
0xfa: {  	[tilespmem:s28+$0xC1D0] =	vst v54;
	v60 =	vmul.f32 v51, v15;
	v4 =	vadd.f32 v52, v11;
	v3 =	vmax.f32 v3, $0.0e+00  }
0xfb: {  	[tilespmem:s28+$0xC1E0] =	vst v55;
	v6 =	vadd.f32 v53, v58;
	v2 =	vmax.f32 v2, $0.0e+00;
	v3 =	vmin.f32 v3, $1.000000000e+00  }
0xfc: {  	v61 =	vadd.f32 v56, v13;
	v4 =	vmax.f32 v4, $0.0e+00;
	v2 =	vmin.f32 v2, $1.000000000e+00;
	[tilespmem:s29+$0xC180] =	vst v3  }
0xfd: {  	v6 =	vmax.f32 v6, $0.0e+00;
	v4 =	vmin.f32 v4, $1.000000000e+00;
	v3 =	vadd.f32 v57, v14;
	[tilespmem:s29+$0xC190] =	vst v2  }
0xfe: {  	v62 =	vmax.f32 v61, $0.0e+00;
	v6 =	vmin.f32 v6, $1.000000000e+00;
	v2 =	vadd.f32 v59, v60;
	[tilespmem:s29+$0xC1A0] =	vst v4  }
.Ltmp4:
0xff: {  	v63 =	vmin.f32 v62, $1.000000000e+00;
	[tilespmem:s29+$0xC1B0] =	vst v6;
	v3 =	vmax.f32 v3, $0.0e+00;
	(pc) =	sbr.rel @p1 .LBB2_8-.Ltmp4, $4  }
0x100: {  	s0 =	sshll.u32 s31, $0xB;
	[tilespmem:s29+$0xC1C0] =	vst v63;
	v2 =	vmax.f32 v2, $0.0e+00;
	v3 =	vmin.f32 v3, $1.000000000e+00  }
0x101: {  	s0 =	sand.u32 $0xFFFF800, s0;
	v2 =	vmin.f32 v2, $1.000000000e+00;
	[tilespmem:s29+$0xC1D0] =	vst v3  }
0x102: {  	s0 =	sadd.s32 s3, s0;
	[tilespmem:s29+$0xC1E0] =	vst v2  }
0x103: {  	[hbm4b:s0+s5] =	stream.linear.scatter [tilespmem:s21], [sflag:$0x4], $0x4000, $0x38;
	[tilespmem:$0x10180] =	vst v63  }
.Ltmp5:
0x104: {  	s0 =	sadd.s32 s26, s11;
	(pc) =	sbr.rel .LBB2_2-.Ltmp5, $4  }
0x105: {  	s0 =	sshll.u32 s0, $0xB  }
0x106: {  	s0 =	sand.u32 $0xFFFF800, s0  }
0x107: {  	s25 =	sadd.s32 $0x1, s25;
	s0 =	sadd.s32 s1, s0  }
0x108: {  	[tilespmem:s15], [sflag:$0x2] =	stream.linear.gather [hbm4b:s0+s5], $0x4000, $0x38;
	[tilespmem:$0x10180] =	vst v63  }
.LBB2_9:
0x109: {  	_ =	sfence.sel $0x180000  }
0x10a: {  	[bflag:$0x0] =	sbarrier.arrive $0xFFFF  }
0x10b: {  	_ =	strace $0x90000047  }
0x10c: {  	s0 =	stileid.u32;
	[bflag:$0x2] =	sbarrier.arrive $0xFFFF  }
0x10d: {  	p0 =	sne.s32 s0, $0x0;
	s0 =	rddreg [dreg:$0x3]  }
0x10e: {  	s0 =	sadd.s32 @!p0 $0x100000, s0  }
0x10f: {  	[sflag:s0] =	ssyncadd.tile.s32 @!p0 $0x1;
	_ =	shalt  }
.Lfunc_end2:
_tile_overlayer_lowered:
.L_overlay_start_2:
0x110: {  	(tag) =	ssettag $0x2  }
0x111: {  	s0 =	rddreg [dreg:$0x0];
	s2 =	stileid.u32  }
0x112: {  	s1 =	rddreg [dreg:$0x1];
	p0 =	sne.s32 s2, $0x0  }
0x113: {  	s3 =	rddreg [dreg:$0x2];
	[bflag:$0x3] =	sbarrier.arrive $0xFFFF;
	s2 =	simm.s32 @!p0 $0x1C05  }
0x114: {  	[timem:s3], [sflag:s2] =	dma.local @!p0 [hbm:s0], s1  }
0x115: {  	s0 =	simm.s32 @!p0 $0x5  }
0x116: {  	_ =	swait.ge @!p0 [sflag:s0], s1  }
0x117: {  	s1 =	ssub.s32 @!p0 $0x0, s1;
	[sflag:s0] =	ssyncset.done @!p0 $0x0  }
0x118: {  	[sflag:s0] =	ssyncadd.s32 @!p0 s1  }
0x119: {  	[bflag:$0x3] =	sbarrier.arrive $0xFFFF  }
0x11a: {  	_ =	shalt  }

</sc_bundles>
